<compile_context>
chip_gen: v7x
topology: tpu7x:2x2x1
jax: 0.10.2.dev20260603
libtpu: 0.0.44.dev20260713+nightly
codegen_flags: <defaults>
</compile_context>

<pallas_src>
import functools
import math

import jax
import jax.numpy as jnp
from jax import lax
from jax.experimental import pallas as pl
from jax.experimental.pallas import tpu as pltpu
from jax.experimental.pallas import tpu_sc as plsc

H = 768
P = 1920
C = 1
B = 2
S = 2048
T = S - C - P
BQ = 1920
RB = P // BQ
SCALE = 1.0 / math.sqrt(H)


def _rms(x):
    var = jnp.mean(x * x, axis=-1, keepdims=True)
    return x * lax.rsqrt(var + 1e-6)


def _score_body(tok_ref, idx_ref, pos_ref, kn_ref, tn_ref, gacc_ref):
    b = pl.program_id(0)
    rb = pl.program_id(1)

    @pl.when(rb == 0)
    def _():
        kn_ref[...] = _rms(tok_ref[C:C + P, :])
        tn_ref[...] = _rms(tok_ref[C + P:, :])

    k_n = kn_ref[...]
    t_n = tn_ref[...]
    q_n = kn_ref[pl.ds(rb * BQ, BQ), :]

    logits = lax.dot_general(q_n, t_n, (((1,), (1,)), ((), ())),
                             preferred_element_type=jnp.float32) * SCALE
    m = jnp.max(logits, axis=-1, keepdims=True)
    e = jnp.exp(logits - m)
    attn = e / jnp.sum(e, axis=-1, keepdims=True)
    q2 = lax.dot_general(attn, t_n, (((1,), (0,)), ((), ())),
                         preferred_element_type=jnp.float32)
    var = jnp.mean(q2 * q2, axis=-1, keepdims=True)
    q2s = q2 * (lax.rsqrt(var + 1e-6) * SCALE)

    score = lax.dot_general(q2s, k_n, (((1,), (1,)), ((), ())),
                            preferred_element_type=jnp.float32)
    idx = jnp.argmax(score, axis=-1).astype(jnp.int32)
    gacc_ref[0, pl.ds(rb * BQ, BQ)] = idx + (b * S + C)

    @pl.when(rb == RB - 1)
    def _():
        g = gacc_ref[...]
        gshift = jnp.roll(g, 1, axis=1)
        siota = lax.broadcasted_iota(jnp.int32, (1, S), 1)
        inpatch = (siota >= C) & (siota < C + P)
        gfull = jnp.where(inpatch, gshift, siota + b * S)
        idx_ref[...] = gfull.reshape(1, 1, S)
        pos_ref[...] = (gfull - b * S).reshape(1, 1, S)


_score_call = pl.pallas_call(
    _score_body,
    grid=(B, RB),
    in_specs=[
        pl.BlockSpec((None, S, H), lambda b, rb: (b, 0, 0)),
    ],
    out_specs=(
        pl.BlockSpec((1, 1, S), lambda b, rb: (b, 0, 0)),
        pl.BlockSpec((1, 1, S), lambda b, rb: (b, 0, 0)),
    ),
    out_shape=(
        jax.ShapeDtypeStruct((B, 1, S), jnp.int32),
        jax.ShapeDtypeStruct((B, 1, S), jnp.int32),
    ),
    scratch_shapes=[
        pltpu.VMEM((P, H), jnp.float32),
        pltpu.VMEM((T, H), jnp.float32),
        pltpu.VMEM((1, S), jnp.int32),
    ],
)


@functools.cache
def _build_gather():
    NC, NS, L = 2, 16, 16
    NW = NC * NS
    R = B * S
    rpw = R // NW
    mesh = plsc.VectorSubcoreMesh(core_axis_name="c", subcore_axis_name="s")

    NCHUNK = 4
    ch = rpw // NCHUNK

    @functools.partial(
        pl.kernel, mesh=mesh,
        out_type=jax.ShapeDtypeStruct((R, H), jnp.float32),
        scratch_types=[
            pltpu.VMEM((rpw,), jnp.int32),
            pltpu.VMEM((NCHUNK, ch, H), jnp.float32),
            [pltpu.SemaphoreType.DMA] * NCHUNK,
            [pltpu.SemaphoreType.DMA] * NCHUNK,
        ],
    )
    def gather_k(tokens_hbm, gidx_hbm, out_hbm, idx_v, rows_v, gsems, wsems):
        wid = lax.axis_index("s") * NC + lax.axis_index("c")
        base = wid * rpw
        pltpu.sync_copy(gidx_hbm.at[pl.ds(base, rpw)], idx_v)
        gets = [
            pltpu.async_copy(
                tokens_hbm.at[idx_v.at[pl.ds(k * ch, ch)]],
                rows_v.at[k], gsems[k])
            for k in range(NCHUNK)
        ]
        puts = []
        for k in range(NCHUNK):
            gets[k].wait()
            puts.append(pltpu.async_copy(
                rows_v.at[k], out_hbm.at[pl.ds(base + k * ch, ch)], wsems[k]))
        for p in puts:
            p.wait()

    return gather_k


def kernel(tokens, position_ids):
    gidx3, pos3 = _score_call(tokens)
    out_flat = _build_gather()(tokens.reshape(B * S, H), gidx3.reshape(B * S))
    return out_flat.reshape(B, S, H), pos3.reshape(B, S)

# --- scband reference (transcript-rebuilt; emitter-appended) ---
"""Pipeline reference for scband-token-pruner-35570919145562 (READ-ONLY COPY).

The authoritative reference and input builder live on the scoring server;
editing this copy changes nothing except your own understanding.
"""

import math
import jax, jax.numpy as jnp
import numpy as np

HIDDEN_SIZE = 768
NUM_PATCHES = 1920
CLS = 1
BATCH = 2
SEQ = 2048


def _rms_norm(x, eps=1e-6):
    x32 = x.astype(jnp.float32)
    var = jnp.mean(x32 * x32, axis=-1, keepdims=True)
    return (x32 * jax.lax.rsqrt(var + eps)).astype(x.dtype)


def setup_inputs(seed: int = 0) -> dict:
    key = jax.random.key(seed)
    k1, k2 = jax.random.split(key)
    tokens = jax.random.normal(k1, (BATCH, SEQ, HIDDEN_SIZE), dtype=jnp.float32)
    position_ids = jnp.arange(BATCH * SEQ, dtype=jnp.int32).reshape(BATCH, SEQ) % SEQ
    return {"tokens": tokens, "position_ids": position_ids}


def reference(tokens, position_ids):
    B, S, D = tokens.shape
    P = NUM_PATCHES
    C = CLS
    cls_tokens = tokens[:, :C]
    patches = tokens[:, C:C + P]
    task_tokens = tokens[:, C + P:]
    cls_pos = position_ids[:, :C]
    patches_pos = position_ids[:, C:C + P]
    task_pos = position_ids[:, C + P:]

    scale = 1.0 / math.sqrt(D)
    # compute_importance_score
    patches_n = _rms_norm(patches)
    task_n = _rms_norm(task_tokens)
    # scaled_dot_product_attention(patches_n, task_n, task_n), default scale 1/sqrt(D)
    attn_logits = jnp.einsum('bpd,btd->bpt', patches_n, task_n) * scale
    attn = jax.nn.softmax(attn_logits, axis=-1)
    queries = jnp.einsum('bpt,btd->bpd', attn, task_n)
    queries = _rms_norm(queries)
    score = jnp.einsum('bpd,bqd->bpq', queries, patches_n) * scale  # [B, P, P]

    # select_soft (noise_scale is None -> no noise)
    hard = jax.nn.one_hot(jnp.argmax(score, axis=-1), P, dtype=score.dtype)
    soft = jax.nn.softmax(score, axis=-1)
    weights = hard + soft - jax.lax.stop_gradient(soft)

    patches_new = jnp.einsum('bpq,bqd->bpd', weights, patches)
    indices = jnp.argmax(weights, axis=-1)  # [B, P]
    patches_pos_new = jnp.take_along_axis(patches_pos, indices, axis=1)

    tokens_out = jnp.concatenate([cls_tokens, patches_new, task_tokens], axis=1)
    pos_out = jnp.concatenate([cls_pos, patches_pos_new, task_pos], axis=1)
    return tokens_out, pos_out

if __name__ == "__main__":
    import jax
    _d = setup_inputs()
    print(jax.jit(kernel)(*tuple(_d.values())))

</pallas_src>

<mosaic_0001>
#map = affine_map<(d0, d1) -> (0, 0)>
#map1 = affine_map<(d0, d1) -> (0)>
module attributes {stable_mosaic.version = 14 : i64} {
  func.func @gather_k(%arg0: i32, %arg1: i32, %arg2: memref<4096x768xf32, #tpu.memory_space<hbm>>, %arg3: memref<4096xi32, #tpu.memory_space<hbm>>, %arg4: memref<4096x768xf32, #tpu.memory_space<hbm>>, %arg5: memref<128xi32, #tpu.memory_space<vmem>>, %arg6: memref<4x32x768xf32, #tpu.memory_space<vmem>>, %arg7: memref<!tpu.dma_semaphore, #tpu.memory_space<semaphore_mem>>, %arg8: memref<!tpu.dma_semaphore, #tpu.memory_space<semaphore_mem>>, %arg9: memref<!tpu.dma_semaphore, #tpu.memory_space<semaphore_mem>>, %arg10: memref<!tpu.dma_semaphore, #tpu.memory_space<semaphore_mem>>, %arg11: memref<!tpu.dma_semaphore, #tpu.memory_space<semaphore_mem>>, %arg12: memref<!tpu.dma_semaphore, #tpu.memory_space<semaphore_mem>>, %arg13: memref<!tpu.dma_semaphore, #tpu.memory_space<semaphore_mem>>, %arg14: memref<!tpu.dma_semaphore, #tpu.memory_space<semaphore_mem>>) attributes {dimension_semantics = [#tpu.dimension_semantics<core_parallel>, #tpu.dimension_semantics<subcore_parallel>], iteration_bounds = array<i64: 2, 16>, scalar_prefetch = 0 : i64, scratch_operands = 10 : i64, tpu.core_type = #tpu.core_type<sc_vector_subcore>, window_params = [{transform_indices = #map}, {transform_indices = #map1}, {transform_indices = #map}]} {
    %mul3A = arith.constant 2 : i32
    %mul3A_0 = arith.muli %arg1, %mul3A : i32
    %add3A = arith.addi %mul3A_0, %arg0 : i32
    %mul3A_1 = arith.constant 128 : i32
    %mul3A_2 = arith.muli %add3A, %mul3A_1 : i32
    "tpu.region"() ({
      %run_scoped3A = tpu.sem_alloc : memref<!tpu.dma_semaphore, #tpu.memory_space<semaphore_mem>>
      %dma_start3A_193 = tpu.memref_slice %arg3[%mul3A_2] : memref<4096xi32, #tpu.memory_space<hbm>> -> memref<128xi32, #tpu.memory_space<hbm>>
      %dma_start3A_194 = tpu.memref_slice %arg3[%mul3A_2] : memref<4096xi32, #tpu.memory_space<hbm>> -> memref<128xi32, #tpu.memory_space<hbm>>
      tpu.enqueue_dma source(%dma_start3A_194 : memref<128xi32, #tpu.memory_space<hbm>>) target(%arg5 : memref<128xi32, #tpu.memory_space<vmem>>) target_semaphore(%run_scoped3A : memref<!tpu.dma_semaphore, #tpu.memory_space<semaphore_mem>>)
      %dma_wait3A_195 = tpu.memref_slice %arg3[%mul3A_2] : memref<4096xi32, #tpu.memory_space<hbm>> -> memref<128xi32, #tpu.memory_space<hbm>>
      %dma_wait3A_196 = tpu.memref_slice %arg3[%mul3A_2] : memref<4096xi32, #tpu.memory_space<hbm>> -> memref<128xi32, #tpu.memory_space<hbm>>
      tpu.wait_dma2 semaphore(%run_scoped3A : memref<!tpu.dma_semaphore, #tpu.memory_space<semaphore_mem>>) src(%dma_wait3A_196 : memref<128xi32, #tpu.memory_space<hbm>>) dst(%arg5 : memref<128xi32, #tpu.memory_space<vmem>>)
      tpu.yield
    }) : () -> ()
    %dma_start3A = arith.constant 0 : i32
    %dma_start3A_3 = arith.constant 0 : i32
    %dma_start3A_4 = arith.constant 0 : i32
    %dma_start3A_5 = tpu.memref_slice %arg6[%dma_start3A, %dma_start3A_3, %dma_start3A_4] : memref<4x32x768xf32, #tpu.memory_space<vmem>> -> memref<1x32x768xf32, #tpu.memory_space<vmem>>
    %dma_start3A_6 = tpu.memref_squeeze %dma_start3A_5 : memref<1x32x768xf32, #tpu.memory_space<vmem>> -> memref<32x768xf32, #tpu.memory_space<vmem>>
    %dma_start3A_7 = arith.constant 0 : i32
    %dma_start3A_8 = tpu.memref_slice %arg5[%dma_start3A_7] : memref<128xi32, #tpu.memory_space<vmem>> -> memref<32xi32, #tpu.memory_space<vmem>>
    %dma_start3A_9 = arith.constant 0 : i32
    %dma_start3A_10 = arith.constant 0 : i32
    %dma_start3A_11 = tpu.memref_slice %arg2[%dma_start3A_9, %dma_start3A_10] : memref<4096x768xf32, #tpu.memory_space<hbm>> -> memref<4096x768xf32, #tpu.memory_space<hbm>>
    tpu.enqueue_indirect_dma source(%dma_start3A_11 : memref<4096x768xf32, #tpu.memory_space<hbm>>) target(%dma_start3A_6 : memref<32x768xf32, #tpu.memory_space<vmem>>) offsets(%dma_start3A_8 : memref<32xi32, #tpu.memory_space<vmem>>) semaphore(%arg7 : memref<!tpu.dma_semaphore, #tpu.memory_space<semaphore_mem>>)
    %dma_start3A_12 = arith.constant 1 : i32
    %dma_start3A_13 = arith.constant 0 : i32
    %dma_start3A_14 = arith.constant 0 : i32
    %dma_start3A_15 = tpu.memref_slice %arg6[%dma_start3A_12, %dma_start3A_13, %dma_start3A_14] : memref<4x32x768xf32, #tpu.memory_space<vmem>> -> memref<1x32x768xf32, #tpu.memory_space<vmem>>
    %dma_start3A_16 = tpu.memref_squeeze %dma_start3A_15 : memref<1x32x768xf32, #tpu.memory_space<vmem>> -> memref<32x768xf32, #tpu.memory_space<vmem>>
    %dma_start3A_17 = arith.constant 32 : i32
    %dma_start3A_18 = tpu.memref_slice %arg5[%dma_start3A_17] : memref<128xi32, #tpu.memory_space<vmem>> -> memref<32xi32, #tpu.memory_space<vmem>>
    %dma_start3A_19 = arith.constant 0 : i32
    %dma_start3A_20 = arith.constant 0 : i32
    %dma_start3A_21 = tpu.memref_slice %arg2[%dma_start3A_19, %dma_start3A_20] : memref<4096x768xf32, #tpu.memory_space<hbm>> -> memref<4096x768xf32, #tpu.memory_space<hbm>>
    tpu.enqueue_indirect_dma source(%dma_start3A_21 : memref<4096x768xf32, #tpu.memory_space<hbm>>) target(%dma_start3A_16 : memref<32x768xf32, #tpu.memory_space<vmem>>) offsets(%dma_start3A_18 : memref<32xi32, #tpu.memory_space<vmem>>) semaphore(%arg8 : memref<!tpu.dma_semaphore, #tpu.memory_space<semaphore_mem>>)
    %dma_start3A_22 = arith.constant 2 : i32
    %dma_start3A_23 = arith.constant 0 : i32
    %dma_start3A_24 = arith.constant 0 : i32
    %dma_start3A_25 = tpu.memref_slice %arg6[%dma_start3A_22, %dma_start3A_23, %dma_start3A_24] : memref<4x32x768xf32, #tpu.memory_space<vmem>> -> memref<1x32x768xf32, #tpu.memory_space<vmem>>
    %dma_start3A_26 = tpu.memref_squeeze %dma_start3A_25 : memref<1x32x768xf32, #tpu.memory_space<vmem>> -> memref<32x768xf32, #tpu.memory_space<vmem>>
    %dma_start3A_27 = arith.constant 64 : i32
    %dma_start3A_28 = tpu.memref_slice %arg5[%dma_start3A_27] : memref<128xi32, #tpu.memory_space<vmem>> -> memref<32xi32, #tpu.memory_space<vmem>>
    %dma_start3A_29 = arith.constant 0 : i32
    %dma_start3A_30 = arith.constant 0 : i32
    %dma_start3A_31 = tpu.memref_slice %arg2[%dma_start3A_29, %dma_start3A_30] : memref<4096x768xf32, #tpu.memory_space<hbm>> -> memref<4096x768xf32, #tpu.memory_space<hbm>>
    tpu.enqueue_indirect_dma source(%dma_start3A_31 : memref<4096x768xf32, #tpu.memory_space<hbm>>) target(%dma_start3A_26 : memref<32x768xf32, #tpu.memory_space<vmem>>) offsets(%dma_start3A_28 : memref<32xi32, #tpu.memory_space<vmem>>) semaphore(%arg9 : memref<!tpu.dma_semaphore, #tpu.memory_space<semaphore_mem>>)
    %dma_start3A_32 = arith.constant 3 : i32
    %dma_start3A_33 = arith.constant 0 : i32
    %dma_start3A_34 = arith.constant 0 : i32
    %dma_start3A_35 = tpu.memref_slice %arg6[%dma_start3A_32, %dma_start3A_33, %dma_start3A_34] : memref<4x32x768xf32, #tpu.memory_space<vmem>> -> memref<1x32x768xf32, #tpu.memory_space<vmem>>
    %dma_start3A_36 = tpu.memref_squeeze %dma_start3A_35 : memref<1x32x768xf32, #tpu.memory_space<vmem>> -> memref<32x768xf32, #tpu.memory_space<vmem>>
    %dma_start3A_37 = arith.constant 96 : i32
    %dma_start3A_38 = tpu.memref_slice %arg5[%dma_start3A_37] : memref<128xi32, #tpu.memory_space<vmem>> -> memref<32xi32, #tpu.memory_space<vmem>>
    %dma_start3A_39 = arith.constant 0 : i32
    %dma_start3A_40 = arith.constant 0 : i32
    %dma_start3A_41 = tpu.memref_slice %arg2[%dma_start3A_39, %dma_start3A_40] : memref<4096x768xf32, #tpu.memory_space<hbm>> -> memref<4096x768xf32, #tpu.memory_space<hbm>>
    tpu.enqueue_indirect_dma source(%dma_start3A_41 : memref<4096x768xf32, #tpu.memory_space<hbm>>) target(%dma_start3A_36 : memref<32x768xf32, #tpu.memory_space<vmem>>) offsets(%dma_start3A_38 : memref<32xi32, #tpu.memory_space<vmem>>) semaphore(%arg10 : memref<!tpu.dma_semaphore, #tpu.memory_space<semaphore_mem>>)
    %dma_wait3A = arith.constant 0 : i32
    %dma_wait3A_42 = arith.constant 0 : i32
    %dma_wait3A_43 = arith.constant 0 : i32
    %dma_wait3A_44 = tpu.memref_slice %arg6[%dma_wait3A, %dma_wait3A_42, %dma_wait3A_43] : memref<4x32x768xf32, #tpu.memory_space<vmem>> -> memref<1x32x768xf32, #tpu.memory_space<vmem>>
    %dma_wait3A_45 = tpu.memref_squeeze %dma_wait3A_44 : memref<1x32x768xf32, #tpu.memory_space<vmem>> -> memref<32x768xf32, #tpu.memory_space<vmem>>
    %dma_wait3A_46 = arith.constant 0 : i32
    %dma_wait3A_47 = tpu.memref_slice %arg5[%dma_wait3A_46] : memref<128xi32, #tpu.memory_space<vmem>> -> memref<32xi32, #tpu.memory_space<vmem>>
    %dma_wait3A_48 = arith.constant 0 : i32
    %dma_wait3A_49 = arith.constant 0 : i32
    %dma_wait3A_50 = tpu.memref_slice %arg2[%dma_wait3A_48, %dma_wait3A_49] : memref<4096x768xf32, #tpu.memory_space<hbm>> -> memref<4096x768xf32, #tpu.memory_space<hbm>>
    tpu.wait_indirect_dma semaphore(%arg7 : memref<!tpu.dma_semaphore, #tpu.memory_space<semaphore_mem>>) src(%dma_wait3A_50 : memref<4096x768xf32, #tpu.memory_space<hbm>>) dst(%dma_wait3A_45 : memref<32x768xf32, #tpu.memory_space<vmem>>)
    %add3A_51 = arith.constant 0 : i32
    %add3A_52 = arith.addi %mul3A_2, %add3A_51 : i32
    %dma_start3A_53 = arith.constant 0 : i32
    %dma_start3A_54 = arith.constant 0 : i32
    %dma_start3A_55 = arith.constant 0 : i32
    %dma_start3A_56 = tpu.memref_slice %arg6[%dma_start3A_53, %dma_start3A_54, %dma_start3A_55] : memref<4x32x768xf32, #tpu.memory_space<vmem>> -> memref<1x32x768xf32, #tpu.memory_space<vmem>>
    %dma_start3A_57 = tpu.memref_squeeze %dma_start3A_56 : memref<1x32x768xf32, #tpu.memory_space<vmem>> -> memref<32x768xf32, #tpu.memory_space<vmem>>
    %dma_start3A_58 = arith.constant 0 : i32
    %dma_start3A_59 = tpu.memref_slice %arg4[%add3A_52, %dma_start3A_58] : memref<4096x768xf32, #tpu.memory_space<hbm>> -> memref<32x768xf32, #tpu.memory_space<hbm>>
    %dma_start3A_60 = arith.constant 0 : i32
    %dma_start3A_61 = tpu.memref_slice %arg4[%add3A_52, %dma_start3A_60] : memref<4096x768xf32, #tpu.memory_space<hbm>> -> memref<32x768xf32, #tpu.memory_space<hbm>>
    %dma_start3A_62 = arith.constant 0 : i32
    %dma_start3A_63 = arith.constant 0 : i32
    %dma_start3A_64 = tpu.memref_slice %arg6[%dma_start3A_53, %dma_start3A_62, %dma_start3A_63] : memref<4x32x768xf32, #tpu.memory_space<vmem>> -> memref<1x32x768xf32, #tpu.memory_space<vmem>>
    %dma_start3A_65 = tpu.memref_squeeze %dma_start3A_64 : memref<1x32x768xf32, #tpu.memory_space<vmem>> -> memref<32x768xf32, #tpu.memory_space<vmem>>
    tpu.enqueue_dma source(%dma_start3A_65 : memref<32x768xf32, #tpu.memory_space<vmem>>) target(%dma_start3A_61 : memref<32x768xf32, #tpu.memory_space<hbm>>) target_semaphore(%arg11 : memref<!tpu.dma_semaphore, #tpu.memory_space<semaphore_mem>>)
    %dma_wait3A_66 = arith.constant 1 : i32
    %dma_wait3A_67 = arith.constant 0 : i32
    %dma_wait3A_68 = arith.constant 0 : i32
    %dma_wait3A_69 = tpu.memref_slice %arg6[%dma_wait3A_66, %dma_wait3A_67, %dma_wait3A_68] : memref<4x32x768xf32, #tpu.memory_space<vmem>> -> memref<1x32x768xf32, #tpu.memory_space<vmem>>
    %dma_wait3A_70 = tpu.memref_squeeze %dma_wait3A_69 : memref<1x32x768xf32, #tpu.memory_space<vmem>> -> memref<32x768xf32, #tpu.memory_space<vmem>>
    %dma_wait3A_71 = arith.constant 32 : i32
    %dma_wait3A_72 = tpu.memref_slice %arg5[%dma_wait3A_71] : memref<128xi32, #tpu.memory_space<vmem>> -> memref<32xi32, #tpu.memory_space<vmem>>
    %dma_wait3A_73 = arith.constant 0 : i32
    %dma_wait3A_74 = arith.constant 0 : i32
    %dma_wait3A_75 = tpu.memref_slice %arg2[%dma_wait3A_73, %dma_wait3A_74] : memref<4096x768xf32, #tpu.memory_space<hbm>> -> memref<4096x768xf32, #tpu.memory_space<hbm>>
    tpu.wait_indirect_dma semaphore(%arg8 : memref<!tpu.dma_semaphore, #tpu.memory_space<semaphore_mem>>) src(%dma_wait3A_75 : memref<4096x768xf32, #tpu.memory_space<hbm>>) dst(%dma_wait3A_70 : memref<32x768xf32, #tpu.memory_space<vmem>>)
    %add3A_76 = arith.constant 32 : i32
    %add3A_77 = arith.addi %mul3A_2, %add3A_76 : i32
    %dma_start3A_78 = arith.constant 1 : i32
    %dma_start3A_79 = arith.constant 0 : i32
    %dma_start3A_80 = arith.constant 0 : i32
    %dma_start3A_81 = tpu.memref_slice %arg6[%dma_start3A_78, %dma_start3A_79, %dma_start3A_80] : memref<4x32x768xf32, #tpu.memory_space<vmem>> -> memref<1x32x768xf32, #tpu.memory_space<vmem>>
    %dma_start3A_82 = tpu.memref_squeeze %dma_start3A_81 : memref<1x32x768xf32, #tpu.memory_space<vmem>> -> memref<32x768xf32, #tpu.memory_space<vmem>>
    %dma_start3A_83 = arith.constant 0 : i32
    %dma_start3A_84 = tpu.memref_slice %arg4[%add3A_77, %dma_start3A_83] : memref<4096x768xf32, #tpu.memory_space<hbm>> -> memref<32x768xf32, #tpu.memory_space<hbm>>
    %dma_start3A_85 = arith.constant 0 : i32
    %dma_start3A_86 = tpu.memref_slice %arg4[%add3A_77, %dma_start3A_85] : memref<4096x768xf32, #tpu.memory_space<hbm>> -> memref<32x768xf32, #tpu.memory_space<hbm>>
    %dma_start3A_87 = arith.constant 0 : i32
    %dma_start3A_88 = arith.constant 0 : i32
    %dma_start3A_89 = tpu.memref_slice %arg6[%dma_start3A_78, %dma_start3A_87, %dma_start3A_88] : memref<4x32x768xf32, #tpu.memory_space<vmem>> -> memref<1x32x768xf32, #tpu.memory_space<vmem>>
    %dma_start3A_90 = tpu.memref_squeeze %dma_start3A_89 : memref<1x32x768xf32, #tpu.memory_space<vmem>> -> memref<32x768xf32, #tpu.memory_space<vmem>>
    tpu.enqueue_dma source(%dma_start3A_90 : memref<32x768xf32, #tpu.memory_space<vmem>>) target(%dma_start3A_86 : memref<32x768xf32, #tpu.memory_space<hbm>>) target_semaphore(%arg12 : memref<!tpu.dma_semaphore, #tpu.memory_space<semaphore_mem>>)
    %dma_wait3A_91 = arith.constant 2 : i32
    %dma_wait3A_92 = arith.constant 0 : i32
    %dma_wait3A_93 = arith.constant 0 : i32
    %dma_wait3A_94 = tpu.memref_slice %arg6[%dma_wait3A_91, %dma_wait3A_92, %dma_wait3A_93] : memref<4x32x768xf32, #tpu.memory_space<vmem>> -> memref<1x32x768xf32, #tpu.memory_space<vmem>>
    %dma_wait3A_95 = tpu.memref_squeeze %dma_wait3A_94 : memref<1x32x768xf32, #tpu.memory_space<vmem>> -> memref<32x768xf32, #tpu.memory_space<vmem>>
    %dma_wait3A_96 = arith.constant 64 : i32
    %dma_wait3A_97 = tpu.memref_slice %arg5[%dma_wait3A_96] : memref<128xi32, #tpu.memory_space<vmem>> -> memref<32xi32, #tpu.memory_space<vmem>>
    %dma_wait3A_98 = arith.constant 0 : i32
    %dma_wait3A_99 = arith.constant 0 : i32
    %dma_wait3A_100 = tpu.memref_slice %arg2[%dma_wait3A_98, %dma_wait3A_99] : memref<4096x768xf32, #tpu.memory_space<hbm>> -> memref<4096x768xf32, #tpu.memory_space<hbm>>
    tpu.wait_indirect_dma semaphore(%arg9 : memref<!tpu.dma_semaphore, #tpu.memory_space<semaphore_mem>>) src(%dma_wait3A_100 : memref<4096x768xf32, #tpu.memory_space<hbm>>) dst(%dma_wait3A_95 : memref<32x768xf32, #tpu.memory_space<vmem>>)
    %add3A_101 = arith.constant 64 : i32
    %add3A_102 = arith.addi %mul3A_2, %add3A_101 : i32
    %dma_start3A_103 = arith.constant 2 : i32
    %dma_start3A_104 = arith.constant 0 : i32
    %dma_start3A_105 = arith.constant 0 : i32
    %dma_start3A_106 = tpu.memref_slice %arg6[%dma_start3A_103, %dma_start3A_104, %dma_start3A_105] : memref<4x32x768xf32, #tpu.memory_space<vmem>> -> memref<1x32x768xf32, #tpu.memory_space<vmem>>
    %dma_start3A_107 = tpu.memref_squeeze %dma_start3A_106 : memref<1x32x768xf32, #tpu.memory_space<vmem>> -> memref<32x768xf32, #tpu.memory_space<vmem>>
    %dma_start3A_108 = arith.constant 0 : i32
    %dma_start3A_109 = tpu.memref_slice %arg4[%add3A_102, %dma_start3A_108] : memref<4096x768xf32, #tpu.memory_space<hbm>> -> memref<32x768xf32, #tpu.memory_space<hbm>>
    %dma_start3A_110 = arith.constant 0 : i32
    %dma_start3A_111 = tpu.memref_slice %arg4[%add3A_102, %dma_start3A_110] : memref<4096x768xf32, #tpu.memory_space<hbm>> -> memref<32x768xf32, #tpu.memory_space<hbm>>
    %dma_start3A_112 = arith.constant 0 : i32
    %dma_start3A_113 = arith.constant 0 : i32
    %dma_start3A_114 = tpu.memref_slice %arg6[%dma_start3A_103, %dma_start3A_112, %dma_start3A_113] : memref<4x32x768xf32, #tpu.memory_space<vmem>> -> memref<1x32x768xf32, #tpu.memory_space<vmem>>
    %dma_start3A_115 = tpu.memref_squeeze %dma_start3A_114 : memref<1x32x768xf32, #tpu.memory_space<vmem>> -> memref<32x768xf32, #tpu.memory_space<vmem>>
    tpu.enqueue_dma source(%dma_start3A_115 : memref<32x768xf32, #tpu.memory_space<vmem>>) target(%dma_start3A_111 : memref<32x768xf32, #tpu.memory_space<hbm>>) target_semaphore(%arg13 : memref<!tpu.dma_semaphore, #tpu.memory_space<semaphore_mem>>)
    %dma_wait3A_116 = arith.constant 3 : i32
    %dma_wait3A_117 = arith.constant 0 : i32
    %dma_wait3A_118 = arith.constant 0 : i32
    %dma_wait3A_119 = tpu.memref_slice %arg6[%dma_wait3A_116, %dma_wait3A_117, %dma_wait3A_118] : memref<4x32x768xf32, #tpu.memory_space<vmem>> -> memref<1x32x768xf32, #tpu.memory_space<vmem>>
    %dma_wait3A_120 = tpu.memref_squeeze %dma_wait3A_119 : memref<1x32x768xf32, #tpu.memory_space<vmem>> -> memref<32x768xf32, #tpu.memory_space<vmem>>
    %dma_wait3A_121 = arith.constant 96 : i32
    %dma_wait3A_122 = tpu.memref_slice %arg5[%dma_wait3A_121] : memref<128xi32, #tpu.memory_space<vmem>> -> memref<32xi32, #tpu.memory_space<vmem>>
    %dma_wait3A_123 = arith.constant 0 : i32
    %dma_wait3A_124 = arith.constant 0 : i32
    %dma_wait3A_125 = tpu.memref_slice %arg2[%dma_wait3A_123, %dma_wait3A_124] : memref<4096x768xf32, #tpu.memory_space<hbm>> -> memref<4096x768xf32, #tpu.memory_space<hbm>>
    tpu.wait_indirect_dma semaphore(%arg10 : memref<!tpu.dma_semaphore, #tpu.memory_space<semaphore_mem>>) src(%dma_wait3A_125 : memref<4096x768xf32, #tpu.memory_space<hbm>>) dst(%dma_wait3A_120 : memref<32x768xf32, #tpu.memory_space<vmem>>)
    %add3A_126 = arith.constant 96 : i32
    %add3A_127 = arith.addi %mul3A_2, %add3A_126 : i32
    %dma_start3A_128 = arith.constant 3 : i32
    %dma_start3A_129 = arith.constant 0 : i32
    %dma_start3A_130 = arith.constant 0 : i32
    %dma_start3A_131 = tpu.memref_slice %arg6[%dma_start3A_128, %dma_start3A_129, %dma_start3A_130] : memref<4x32x768xf32, #tpu.memory_space<vmem>> -> memref<1x32x768xf32, #tpu.memory_space<vmem>>
    %dma_start3A_132 = tpu.memref_squeeze %dma_start3A_131 : memref<1x32x768xf32, #tpu.memory_space<vmem>> -> memref<32x768xf32, #tpu.memory_space<vmem>>
    %dma_start3A_133 = arith.constant 0 : i32
    %dma_start3A_134 = tpu.memref_slice %arg4[%add3A_127, %dma_start3A_133] : memref<4096x768xf32, #tpu.memory_space<hbm>> -> memref<32x768xf32, #tpu.memory_space<hbm>>
    %dma_start3A_135 = arith.constant 0 : i32
    %dma_start3A_136 = tpu.memref_slice %arg4[%add3A_127, %dma_start3A_135] : memref<4096x768xf32, #tpu.memory_space<hbm>> -> memref<32x768xf32, #tpu.memory_space<hbm>>
    %dma_start3A_137 = arith.constant 0 : i32
    %dma_start3A_138 = arith.constant 0 : i32
    %dma_start3A_139 = tpu.memref_slice %arg6[%dma_start3A_128, %dma_start3A_137, %dma_start3A_138] : memref<4x32x768xf32, #tpu.memory_space<vmem>> -> memref<1x32x768xf32, #tpu.memory_space<vmem>>
    %dma_start3A_140 = tpu.memref_squeeze %dma_start3A_139 : memref<1x32x768xf32, #tpu.memory_space<vmem>> -> memref<32x768xf32, #tpu.memory_space<vmem>>
    tpu.enqueue_dma source(%dma_start3A_140 : memref<32x768xf32, #tpu.memory_space<vmem>>) target(%dma_start3A_136 : memref<32x768xf32, #tpu.memory_space<hbm>>) target_semaphore(%arg14 : memref<!tpu.dma_semaphore, #tpu.memory_space<semaphore_mem>>)
    %dma_wait3A_141 = arith.constant 0 : i32
    %dma_wait3A_142 = arith.constant 0 : i32
    %dma_wait3A_143 = arith.constant 0 : i32
    %dma_wait3A_144 = tpu.memref_slice %arg6[%dma_wait3A_141, %dma_wait3A_142, %dma_wait3A_143] : memref<4x32x768xf32, #tpu.memory_space<vmem>> -> memref<1x32x768xf32, #tpu.memory_space<vmem>>
    %dma_wait3A_145 = tpu.memref_squeeze %dma_wait3A_144 : memref<1x32x768xf32, #tpu.memory_space<vmem>> -> memref<32x768xf32, #tpu.memory_space<vmem>>
    %dma_wait3A_146 = arith.constant 0 : i32
    %dma_wait3A_147 = tpu.memref_slice %arg4[%add3A_52, %dma_wait3A_146] : memref<4096x768xf32, #tpu.memory_space<hbm>> -> memref<32x768xf32, #tpu.memory_space<hbm>>
    %dma_wait3A_148 = arith.constant 0 : i32
    %dma_wait3A_149 = tpu.memref_slice %arg4[%add3A_52, %dma_wait3A_148] : memref<4096x768xf32, #tpu.memory_space<hbm>> -> memref<32x768xf32, #tpu.memory_space<hbm>>
    %dma_wait3A_150 = arith.constant 0 : i32
    %dma_wait3A_151 = arith.constant 0 : i32
    %dma_wait3A_152 = tpu.memref_slice %arg6[%dma_wait3A_141, %dma_wait3A_150, %dma_wait3A_151] : memref<4x32x768xf32, #tpu.memory_space<vmem>> -> memref<1x32x768xf32, #tpu.memory_space<vmem>>
    %dma_wait3A_153 = tpu.memref_squeeze %dma_wait3A_152 : memref<1x32x768xf32, #tpu.memory_space<vmem>> -> memref<32x768xf32, #tpu.memory_space<vmem>>
    tpu.wait_dma2 semaphore(%arg11 : memref<!tpu.dma_semaphore, #tpu.memory_space<semaphore_mem>>) src(%dma_wait3A_153 : memref<32x768xf32, #tpu.memory_space<vmem>>) dst(%dma_wait3A_149 : memref<32x768xf32, #tpu.memory_space<hbm>>)
    %dma_wait3A_154 = arith.constant 1 : i32
    %dma_wait3A_155 = arith.constant 0 : i32
    %dma_wait3A_156 = arith.constant 0 : i32
    %dma_wait3A_157 = tpu.memref_slice %arg6[%dma_wait3A_154, %dma_wait3A_155, %dma_wait3A_156] : memref<4x32x768xf32, #tpu.memory_space<vmem>> -> memref<1x32x768xf32, #tpu.memory_space<vmem>>
    %dma_wait3A_158 = tpu.memref_squeeze %dma_wait3A_157 : memref<1x32x768xf32, #tpu.memory_space<vmem>> -> memref<32x768xf32, #tpu.memory_space<vmem>>
    %dma_wait3A_159 = arith.constant 0 : i32
    %dma_wait3A_160 = tpu.memref_slice %arg4[%add3A_77, %dma_wait3A_159] : memref<4096x768xf32, #tpu.memory_space<hbm>> -> memref<32x768xf32, #tpu.memory_space<hbm>>
    %dma_wait3A_161 = arith.constant 0 : i32
    %dma_wait3A_162 = tpu.memref_slice %arg4[%add3A_77, %dma_wait3A_161] : memref<4096x768xf32, #tpu.memory_space<hbm>> -> memref<32x768xf32, #tpu.memory_space<hbm>>
    %dma_wait3A_163 = arith.constant 0 : i32
    %dma_wait3A_164 = arith.constant 0 : i32
    %dma_wait3A_165 = tpu.memref_slice %arg6[%dma_wait3A_154, %dma_wait3A_163, %dma_wait3A_164] : memref<4x32x768xf32, #tpu.memory_space<vmem>> -> memref<1x32x768xf32, #tpu.memory_space<vmem>>
    %dma_wait3A_166 = tpu.memref_squeeze %dma_wait3A_165 : memref<1x32x768xf32, #tpu.memory_space<vmem>> -> memref<32x768xf32, #tpu.memory_space<vmem>>
    tpu.wait_dma2 semaphore(%arg12 : memref<!tpu.dma_semaphore, #tpu.memory_space<semaphore_mem>>) src(%dma_wait3A_166 : memref<32x768xf32, #tpu.memory_space<vmem>>) dst(%dma_wait3A_162 : memref<32x768xf32, #tpu.memory_space<hbm>>)
    %dma_wait3A_167 = arith.constant 2 : i32
    %dma_wait3A_168 = arith.constant 0 : i32
    %dma_wait3A_169 = arith.constant 0 : i32
    %dma_wait3A_170 = tpu.memref_slice %arg6[%dma_wait3A_167, %dma_wait3A_168, %dma_wait3A_169] : memref<4x32x768xf32, #tpu.memory_space<vmem>> -> memref<1x32x768xf32, #tpu.memory_space<vmem>>
    %dma_wait3A_171 = tpu.memref_squeeze %dma_wait3A_170 : memref<1x32x768xf32, #tpu.memory_space<vmem>> -> memref<32x768xf32, #tpu.memory_space<vmem>>
    %dma_wait3A_172 = arith.constant 0 : i32
    %dma_wait3A_173 = tpu.memref_slice %arg4[%add3A_102, %dma_wait3A_172] : memref<4096x768xf32, #tpu.memory_space<hbm>> -> memref<32x768xf32, #tpu.memory_space<hbm>>
    %dma_wait3A_174 = arith.constant 0 : i32
    %dma_wait3A_175 = tpu.memref_slice %arg4[%add3A_102, %dma_wait3A_174] : memref<4096x768xf32, #tpu.memory_space<hbm>> -> memref<32x768xf32, #tpu.memory_space<hbm>>
    %dma_wait3A_176 = arith.constant 0 : i32
    %dma_wait3A_177 = arith.constant 0 : i32
    %dma_wait3A_178 = tpu.memref_slice %arg6[%dma_wait3A_167, %dma_wait3A_176, %dma_wait3A_177] : memref<4x32x768xf32, #tpu.memory_space<vmem>> -> memref<1x32x768xf32, #tpu.memory_space<vmem>>
    %dma_wait3A_179 = tpu.memref_squeeze %dma_wait3A_178 : memref<1x32x768xf32, #tpu.memory_space<vmem>> -> memref<32x768xf32, #tpu.memory_space<vmem>>
    tpu.wait_dma2 semaphore(%arg13 : memref<!tpu.dma_semaphore, #tpu.memory_space<semaphore_mem>>) src(%dma_wait3A_179 : memref<32x768xf32, #tpu.memory_space<vmem>>) dst(%dma_wait3A_175 : memref<32x768xf32, #tpu.memory_space<hbm>>)
    %dma_wait3A_180 = arith.constant 3 : i32
    %dma_wait3A_181 = arith.constant 0 : i32
    %dma_wait3A_182 = arith.constant 0 : i32
    %dma_wait3A_183 = tpu.memref_slice %arg6[%dma_wait3A_180, %dma_wait3A_181, %dma_wait3A_182] : memref<4x32x768xf32, #tpu.memory_space<vmem>> -> memref<1x32x768xf32, #tpu.memory_space<vmem>>
    %dma_wait3A_184 = tpu.memref_squeeze %dma_wait3A_183 : memref<1x32x768xf32, #tpu.memory_space<vmem>> -> memref<32x768xf32, #tpu.memory_space<vmem>>
    %dma_wait3A_185 = arith.constant 0 : i32
    %dma_wait3A_186 = tpu.memref_slice %arg4[%add3A_127, %dma_wait3A_185] : memref<4096x768xf32, #tpu.memory_space<hbm>> -> memref<32x768xf32, #tpu.memory_space<hbm>>
    %dma_wait3A_187 = arith.constant 0 : i32
    %dma_wait3A_188 = tpu.memref_slice %arg4[%add3A_127, %dma_wait3A_187] : memref<4096x768xf32, #tpu.memory_space<hbm>> -> memref<32x768xf32, #tpu.memory_space<hbm>>
    %dma_wait3A_189 = arith.constant 0 : i32
    %dma_wait3A_190 = arith.constant 0 : i32
    %dma_wait3A_191 = tpu.memref_slice %arg6[%dma_wait3A_180, %dma_wait3A_189, %dma_wait3A_190] : memref<4x32x768xf32, #tpu.memory_space<vmem>> -> memref<1x32x768xf32, #tpu.memory_space<vmem>>
    %dma_wait3A_192 = tpu.memref_squeeze %dma_wait3A_191 : memref<1x32x768xf32, #tpu.memory_space<vmem>> -> memref<32x768xf32, #tpu.memory_space<vmem>>
    tpu.wait_dma2 semaphore(%arg14 : memref<!tpu.dma_semaphore, #tpu.memory_space<semaphore_mem>>) src(%dma_wait3A_192 : memref<32x768xf32, #tpu.memory_space<vmem>>) dst(%dma_wait3A_188 : memref<32x768xf32, #tpu.memory_space<hbm>>)
    return
  }
}

module attributes {stable_mosaic.version = 14 : i64} {
  func.func @_score_body(%arg0: i32, %arg1: i32, %arg2: memref<1x2048x768xf32, #tpu.memory_space<vmem>>, %arg3: memref<1x1x2048xi32, #tpu.memory_space<vmem>>, %arg4: memref<1x1x2048xi32, #tpu.memory_space<vmem>>, %arg5: memref<1920x768xf32, #tpu.memory_space<vmem>>, %arg6: memref<127x768xf32, #tpu.memory_space<vmem>>, %arg7: memref<1x2048xi32, #tpu.memory_space<vmem>>) attributes {dimension_semantics = [#tpu.dimension_semantics<arbitrary>, #tpu.dimension_semantics<arbitrary>], iteration_bounds = array<i64: 2, 1>, scalar_prefetch = 0 : i64, scratch_operands = 3 : i64, tpu.core_type = #tpu.core_type<tc>, window_params = [{transform_indices = @transform_0, window_bounds = array<i64: 1, 2048, 768>}, {transform_indices = @transform_1, window_bounds = array<i64: 1, 1, 2048>}, {transform_indices = @transform_2, window_bounds = array<i64: 1, 1, 2048>}]} {
    %eq3A = arith.constant 0 : i32
    %eq3A_0 = arith.cmpi eq, %arg1, %eq3A : i32
    %convert_element_type3A = arith.extui %eq3A_0 : i1 to i32
    %cond3A = arith.constant 0 : i32
    %cond3A_1 = arith.cmpi ne, %convert_element_type3A, %cond3A : i32
    scf.if %cond3A_1 {
      %get3A_55 = arith.constant 0 : index
      %get3A_56 = arith.constant 1 : index
      %get3A_57 = arith.constant 0 : index
      %get3A_58 = vector.load %arg2[%get3A_55, %get3A_56, %get3A_57] : memref<1x2048x768xf32, #tpu.memory_space<vmem>>, vector<1x1920x768xf32>
      %get3A_59 = vector.shape_cast %get3A_58 : vector<1x1920x768xf32> to vector<1920x768xf32>
      %mul3A_60 = arith.mulf %get3A_59, %get3A_59 : vector<1920x768xf32>
      %reduce_sum3A_61 = arith.constant dense<0.000000e+00> : vector<1920xf32>
      %reduce_sum3A_62 = vector.multi_reduction <add>, %mul3A_60, %reduce_sum3A_61 [1] : vector<1920x768xf32> to vector<1920xf32>
      %broadcast_in_dim3A_63 = vector.shape_cast %reduce_sum3A_62 : vector<1920xf32> to vector<1920x1xf32>
      %div3A_64 = arith.constant 7.680000e+02 : f32
      %div3A_65 = vector.broadcast %div3A_64 : f32 to vector<1920x1xf32>
      %div3A_66 = arith.divf %broadcast_in_dim3A_63, %div3A_65 : vector<1920x1xf32>
      %add3A_67 = arith.constant 9.99999997E-7 : f32
      %add3A_68 = vector.broadcast %add3A_67 : f32 to vector<1920x1xf32>
      %add3A_69 = arith.addf %div3A_66, %add3A_68 : vector<1920x1xf32>
      %rsqrt3A_70 = math.rsqrt %add3A_69 : vector<1920x1xf32>
      %mul3A_71 = vector.broadcast %rsqrt3A_70 : vector<1920x1xf32> to vector<1920x768xf32>
      %mul3A_72 = arith.mulf %get3A_59, %mul3A_71 : vector<1920x768xf32>
      %swap3A_73 = arith.constant 0 : index
      %swap3A_74 = arith.constant 0 : index
      %swap3A_75 = vector.load %arg5[%swap3A_73, %swap3A_74] : memref<1920x768xf32, #tpu.memory_space<vmem>>, vector<1920x768xf32>
      tpu.vector_store %arg5[%swap3A_73, %swap3A_74], %mul3A_72 {strides = array<i32>} : memref<1920x768xf32, #tpu.memory_space<vmem>>, vector<1920x768xf32>,
      %get3A_76 = arith.constant 0 : index
      %get3A_77 = arith.constant 1921 : index
      %get3A_78 = arith.constant 0 : index
      %get3A_79 = vector.load %arg2[%get3A_76, %get3A_77, %get3A_78] : memref<1x2048x768xf32, #tpu.memory_space<vmem>>, vector<1x127x768xf32>
      %get3A_80 = vector.shape_cast %get3A_79 : vector<1x127x768xf32> to vector<127x768xf32>
      %mul3A_81 = arith.mulf %get3A_80, %get3A_80 : vector<127x768xf32>
      %reduce_sum3A_82 = arith.constant dense<0.000000e+00> : vector<127xf32>
      %reduce_sum3A_83 = vector.multi_reduction <add>, %mul3A_81, %reduce_sum3A_82 [1] : vector<127x768xf32> to vector<127xf32>
      %broadcast_in_dim3A_84 = vector.shape_cast %reduce_sum3A_83 : vector<127xf32> to vector<127x1xf32>
      %div3A_85 = arith.constant 7.680000e+02 : f32
      %div3A_86 = vector.broadcast %div3A_85 : f32 to vector<127x1xf32>
      %div3A_87 = arith.divf %broadcast_in_dim3A_84, %div3A_86 : vector<127x1xf32>
      %add3A_88 = arith.constant 9.99999997E-7 : f32
      %add3A_89 = vector.broadcast %add3A_88 : f32 to vector<127x1xf32>
      %add3A_90 = arith.addf %div3A_87, %add3A_89 : vector<127x1xf32>
      %rsqrt3A_91 = math.rsqrt %add3A_90 : vector<127x1xf32>
      %mul3A_92 = vector.broadcast %rsqrt3A_91 : vector<127x1xf32> to vector<127x768xf32>
      %mul3A_93 = arith.mulf %get3A_80, %mul3A_92 : vector<127x768xf32>
      %swap3A_94 = arith.constant 0 : index
      %swap3A_95 = arith.constant 0 : index
      %swap3A_96 = vector.load %arg6[%swap3A_94, %swap3A_95] : memref<127x768xf32, #tpu.memory_space<vmem>>, vector<127x768xf32>
      tpu.vector_store %arg6[%swap3A_94, %swap3A_95], %mul3A_93 {strides = array<i32>} : memref<127x768xf32, #tpu.memory_space<vmem>>, vector<127x768xf32>,
    } else {
    }
    %get3A = arith.constant 0 : index
    %get3A_2 = arith.constant 0 : index
    %get3A_3 = vector.load %arg5[%get3A, %get3A_2] : memref<1920x768xf32, #tpu.memory_space<vmem>>, vector<1920x768xf32>
    %get3A_4 = arith.constant 0 : index
    %get3A_5 = arith.constant 0 : index
    %get3A_6 = vector.load %arg6[%get3A_4, %get3A_5] : memref<127x768xf32, #tpu.memory_space<vmem>>, vector<127x768xf32>
    %mul3A = arith.constant 1920 : i32
    %mul3A_7 = arith.muli %arg1, %mul3A : i32
    %get3A_8 = arith.index_cast %mul3A_7 : i32 to index
    %get3A_9 = arith.constant 0 : index
    %get3A_10 = vector.load %arg5[%get3A_8, %get3A_9] : memref<1920x768xf32, #tpu.memory_space<vmem>>, vector<1920x768xf32>
    %dot_general3A = arith.constant dense<0.000000e+00> : vector<1920x127xf32>
    %dot_general3A_11 = tpu.matmul %get3A_10, %get3A_6, %dot_general3A {dimension_numbers = #tpu.dot_dimension_numbers<[1], [1], [0], [0], [0, 0, 1, 0], [], []>, transpose_lhs_hint = false} : vector<1920x768xf32>, vector<127x768xf32>, vector<1920x127xf32> -> vector<1920x127xf32>
    %mul3A_12 = arith.constant 0.0360843912 : f32
    %mul3A_13 = vector.broadcast %mul3A_12 : f32 to vector<1920x127xf32>
    %mul3A_14 = arith.mulf %dot_general3A_11, %mul3A_13 : vector<1920x127xf32>
    %reduce_max3A = arith.constant dense<0xFF800000> : vector<1920xf32>
    %reduce_max3A_15 = vector.multi_reduction <maximumf>, %mul3A_14, %reduce_max3A [1] : vector<1920x127xf32> to vector<1920xf32>
    %broadcast_in_dim3A = vector.shape_cast %reduce_max3A_15 : vector<1920xf32> to vector<1920x1xf32>
    %sub3A = vector.broadcast %broadcast_in_dim3A : vector<1920x1xf32> to vector<1920x127xf32>
    %sub3A_16 = arith.subf %mul3A_14, %sub3A : vector<1920x127xf32>
    %exp3A = math.exp %sub3A_16 : vector<1920x127xf32>
    %reduce_sum3A = arith.constant dense<0.000000e+00> : vector<1920xf32>
    %reduce_sum3A_17 = vector.multi_reduction <add>, %exp3A, %reduce_sum3A [1] : vector<1920x127xf32> to vector<1920xf32>
    %broadcast_in_dim3A_18 = vector.shape_cast %reduce_sum3A_17 : vector<1920xf32> to vector<1920x1xf32>
    %div3A = vector.broadcast %broadcast_in_dim3A_18 : vector<1920x1xf32> to vector<1920x127xf32>
    %div3A_19 = arith.divf %exp3A, %div3A : vector<1920x127xf32>
    %dot_general3A_20 = arith.constant dense<0.000000e+00> : vector<1920x768xf32>
    %dot_general3A_21 = tpu.matmul %div3A_19, %get3A_6, %dot_general3A_20 {dimension_numbers = #tpu.dot_dimension_numbers<[1], [0], [0], [1], [0, 0, 1, 1], [], []>, transpose_lhs_hint = false} : vector<1920x127xf32>, vector<127x768xf32>, vector<1920x768xf32> -> vector<1920x768xf32>
    %mul3A_22 = arith.mulf %dot_general3A_21, %dot_general3A_21 : vector<1920x768xf32>
    %reduce_sum3A_23 = arith.constant dense<0.000000e+00> : vector<1920xf32>
    %reduce_sum3A_24 = vector.multi_reduction <add>, %mul3A_22, %reduce_sum3A_23 [1] : vector<1920x768xf32> to vector<1920xf32>
    %broadcast_in_dim3A_25 = vector.shape_cast %reduce_sum3A_24 : vector<1920xf32> to vector<1920x1xf32>
    %div3A_26 = arith.constant 7.680000e+02 : f32
    %div3A_27 = vector.broadcast %div3A_26 : f32 to vector<1920x1xf32>
    %div3A_28 = arith.divf %broadcast_in_dim3A_25, %div3A_27 : vector<1920x1xf32>
    %add3A = arith.constant 9.99999997E-7 : f32
    %add3A_29 = vector.broadcast %add3A : f32 to vector<1920x1xf32>
    %add3A_30 = arith.addf %div3A_28, %add3A_29 : vector<1920x1xf32>
    %rsqrt3A = math.rsqrt %add3A_30 : vector<1920x1xf32>
    %mul3A_31 = arith.constant 0.0360843912 : f32
    %mul3A_32 = vector.broadcast %mul3A_31 : f32 to vector<1920x1xf32>
    %mul3A_33 = arith.mulf %rsqrt3A, %mul3A_32 : vector<1920x1xf32>
    %mul3A_34 = vector.broadcast %mul3A_33 : vector<1920x1xf32> to vector<1920x768xf32>
    %mul3A_35 = arith.mulf %dot_general3A_21, %mul3A_34 : vector<1920x768xf32>
    %dot_general3A_36 = arith.constant dense<0.000000e+00> : vector<1920x1920xf32>
    %dot_general3A_37 = tpu.matmul %mul3A_35, %get3A_3, %dot_general3A_36 {dimension_numbers = #tpu.dot_dimension_numbers<[1], [1], [0], [0], [0, 0, 1, 0], [], []>, transpose_lhs_hint = false} : vector<1920x768xf32>, vector<1920x768xf32>, vector<1920x1920xf32> -> vector<1920x1920xf32>
    %argmax3A = tpu.reduce_index %dot_general3A_37 {axis = 1 : i32, kind = #tpu.reduction_kind<arg_max>} : vector<1920x1920xf32> -> vector<1920xi32>
    %mul3A_38 = arith.constant 2048 : i32
    %mul3A_39 = arith.muli %arg0, %mul3A_38 : i32
    %add3A_40 = arith.constant 1 : i32
    %add3A_41 = arith.addi %mul3A_39, %add3A_40 : i32
    %add3A_42 = vector.broadcast %add3A_41 : i32 to vector<1920xi32>
    %add3A_43 = arith.addi %argmax3A, %add3A_42 : vector<1920xi32>
    %mul3A_44 = arith.constant 1920 : i32
    %mul3A_45 = arith.muli %arg1, %mul3A_44 : i32
    %swap3A = arith.constant 0 : index
    %swap3A_46 = arith.index_cast %mul3A_45 : i32 to index
    %swap3A_47 = vector.load %arg7[%swap3A, %swap3A_46] : memref<1x2048xi32, #tpu.memory_space<vmem>>, vector<1x1920xi32>
    %swap3A_48 = vector.shape_cast %swap3A_47 : vector<1x1920xi32> to vector<1920xi32>
    %swap3A_49 = vector.shape_cast %add3A_43 : vector<1920xi32> to vector<1x1920xi32>
    tpu.vector_store %arg7[%swap3A, %swap3A_46], %swap3A_49 {strides = array<i32>} : memref<1x2048xi32, #tpu.memory_space<vmem>>, vector<1x1920xi32>,
    %eq3A_50 = arith.constant 0 : i32
    %eq3A_51 = arith.cmpi eq, %arg1, %eq3A_50 : i32
    %convert_element_type3A_52 = arith.extui %eq3A_51 : i1 to i32
    %cond3A_53 = arith.constant 0 : i32
    %cond3A_54 = arith.cmpi ne, %convert_element_type3A_52, %cond3A_53 : i32
    scf.if %cond3A_54 {
      %get3A_55 = arith.constant 0 : index
      %get3A_56 = arith.constant 0 : index
      %get3A_57 = vector.load %arg7[%get3A_55, %get3A_56] : memref<1x2048xi32, #tpu.memory_space<vmem>>, vector<1x2048xi32>
      %slice3A = vector.extract_strided_slice %get3A_57 {offsets = [0, 2047], sizes = [1, 1], strides = [1, 1]} : vector<1x2048xi32> to vector<1x1xi32>
      %slice3A_58 = vector.extract_strided_slice %get3A_57 {offsets = [0, 0], sizes = [1, 2047], strides = [1, 1]} : vector<1x2048xi32> to vector<1x2047xi32>
      %concatenate3A = tpu.concatenate %slice3A, %slice3A_58 in 1 : vector<1x1xi32>, vector<1x2047xi32> -> vector<1x2048xi32>
      %iota3A = tpu.iota {dimensions = array<i32: 1>} : vector<1x2048xi32>
      %ge3A = arith.constant 1 : i32
      %ge3A_59 = vector.broadcast %ge3A : i32 to vector<1x2048xi32>
      %ge3A_60 = arith.cmpi sge, %iota3A, %ge3A_59 : vector<1x2048xi32>
      %lt3A = arith.constant 1921 : i32
      %lt3A_61 = vector.broadcast %lt3A : i32 to vector<1x2048xi32>
      %lt3A_62 = arith.cmpi slt, %iota3A, %lt3A_61 : vector<1x2048xi32>
      %and3A = arith.andi %ge3A_60, %lt3A_62 : vector<1x2048xi1>
      %mul3A_63 = arith.constant 2048 : i32
      %mul3A_64 = arith.muli %arg0, %mul3A_63 : i32
      %add3A_65 = vector.broadcast %mul3A_64 : i32 to vector<1x2048xi32>
      %add3A_66 = arith.addi %iota3A, %add3A_65 : vector<1x2048xi32>
      %select_n3A = arith.select %and3A, %concatenate3A, %add3A_66 : vector<1x2048xi1>, vector<1x2048xi32>
      %reshape3A = vector.shape_cast %select_n3A : vector<1x2048xi32> to vector<1x1x2048xi32>
      %swap3A_67 = arith.constant 0 : index
      %swap3A_68 = arith.constant 0 : index
      %swap3A_69 = arith.constant 0 : index
      %swap3A_70 = vector.load %arg3[%swap3A_67, %swap3A_68, %swap3A_69] : memref<1x1x2048xi32, #tpu.memory_space<vmem>>, vector<1x1x2048xi32>
      tpu.vector_store %arg3[%swap3A_67, %swap3A_68, %swap3A_69], %reshape3A {strides = array<i32>} : memref<1x1x2048xi32, #tpu.memory_space<vmem>>, vector<1x1x2048xi32>,
      %mul3A_71 = arith.constant 2048 : i32
      %mul3A_72 = arith.muli %arg0, %mul3A_71 : i32
      %sub3A_73 = vector.broadcast %mul3A_72 : i32 to vector<1x2048xi32>
      %sub3A_74 = arith.subi %select_n3A, %sub3A_73 : vector<1x2048xi32>
      %reshape3A_75 = vector.shape_cast %sub3A_74 : vector<1x2048xi32> to vector<1x1x2048xi32>
      %swap3A_76 = arith.constant 0 : index
      %swap3A_77 = arith.constant 0 : index
      %swap3A_78 = arith.constant 0 : index
      %swap3A_79 = vector.load %arg4[%swap3A_76, %swap3A_77, %swap3A_78] : memref<1x1x2048xi32, #tpu.memory_space<vmem>>, vector<1x1x2048xi32>
      tpu.vector_store %arg4[%swap3A_76, %swap3A_77, %swap3A_78], %reshape3A_75 {strides = array<i32>} : memref<1x1x2048xi32, #tpu.memory_space<vmem>>, vector<1x1x2048xi32>,
    } else {
    }
    return
  }
  func.func @transform_0(%arg0: i32, %arg1: i32) -> (i32, i32, i32) {
    %c0_i32 = arith.constant 0 : i32
    %c0_i32_0 = arith.constant 0 : i32
    %c0_i32_1 = arith.constant 0 : i32
    return %arg0, %c0_i32, %c0_i32_0 : i32, i32, i32
  }
  func.func @transform_1(%arg0: i32, %arg1: i32) -> (i32, i32, i32) {
    %c0_i32 = arith.constant 0 : i32
    %c0_i32_0 = arith.constant 0 : i32
    %c0_i32_1 = arith.constant 0 : i32
    return %arg0, %c0_i32, %c0_i32_0 : i32, i32, i32
  }
  func.func @transform_2(%arg0: i32, %arg1: i32) -> (i32, i32, i32) {
    %c0_i32 = arith.constant 0 : i32
    %c0_i32_0 = arith.constant 0 : i32
    %c0_i32_1 = arith.constant 0 : i32
    return %arg0, %c0_i32, %c0_i32_0 : i32, i32, i32
  }
}

</mosaic_0001>

<sc_bundles>
// kernel: kernel.4.cloned.1.call-start
scs
__scs_entry_jumppad:
0x0: {  	(pc) =	sbr.rel $0x88, $3  }
0x1: {  	(tag) =	ssettag $0x0;
	lr =	simm.s32 $0x1  }
0x2: {  	[smem:$0x3FA0] =	sst lr;
	_ =	strace $0xD0000000  }
0x3: {  	_ = 	snop  }
0x4: {  	_ = 	snop  }
0x5: {  	_ = 	snop  }
0x6: {  	_ = 	snop  }
0x7: {  	_ = 	snop  }
__scs_overlays_trampoline_lowered:
0x8: {  	[smem:$0x3FAF] =	sst s0  }
0x9: {  	[smem:$0x3FB0] =	sst s1  }
0xa: {  	[smem:$0x3FB1] =	sst s2  }
0xb: {  	[smem:$0x3FB2] =	sst s3  }
0xc: {  	[smem:$0x3FB3] =	sst s4  }
0xd: {  	[smem:$0x3FB4] =	sst s5  }
0xe: {  	[smem:$0x3FB5] =	sst s6  }
0xf: {  	[smem:$0x3FB6] =	sst s7  }
0x10: {  	[smem:$0x3FB7] =	sst s8  }
0x11: {  	[smem:$0x3FB8] =	sst s9;
	s0 =	simm.s32 @!p0 $0x0  }
0x12: {  	s1 =	sld [smem:$0x3F9E];
	s0 =	simm.s32 @p0 $0x1  }
0x13: {  	[smem:$0x3FB9] =	sst s0;
	s0 =	simm.s32 @!p1 $0x0  }
0x14: {  	s2 =	sld [smem:$0x3F9D];
	s0 =	simm.s32 @p1 $0x1  }
0x15: {  	[smem:$0x3FBA] =	sst s0;
	s0 =	simm.s32 @!p2 $0x0  }
0x16: {  	s3 =	sld [smem:$0x3FDB];
	s0 =	simm.s32 @p2 $0x1  }
0x17: {  	s4 =	simm.s32 $0x1BF5;
	[smem:$0x3FBC] =	sst s0  }
0x18: {  	s0 =	sld [smem:$0x3F9F];
	_ =	swait.ge [sflag:s4], $0x0  }
0x19: {  	s7 =	sld [smem:$0x3FA0]  }
0x1a: {  	s8 =	sadd.s32 $0xFFFFE003, lr  }
0x1b: {  	s9 =	sadd.s32 $0xFFFFFEF7, lr;
	s5 =	simm.s32 $0xFFFFFFFF;
	p2 =	slt.u32 s8, $0xFFFFF086  }
0x1c: {  	p1 =	slt.u32 s9, $0xF7A;
	s5 =	simm.s32 @!p2 $0x0  }
0x1d: {  	s5 =	simm.s32 @p1 $0x1;
	p0 =	seq.s32 s7, s2  }
0x1e: {  	s7 =	smul.u32 @!p0 $0xF7A, s2;
	p2 =	seq.s32 @!p0 s5, $0x0  }
0x1f: {  	s9 =	smul.u32 $0xF7A, s1;
	s8 =	simm.s32 @!p0 $0x1BF5;
	p2 =	por !p2, p0  }
0x20: {  	[sflag:s8] =	ssyncset.s32 @!p0 $0xFFFFF086;
	s6 =	sadd.s32 @!p0 s3, s7;
	s7 =	simm.s32 @!p0 $0x108  }
0x21: {  	s3 =	sadd.s32 s3, s9;
	s6 =	sadd.s32 @!p0 $0x88, s6;
	s7 =	simm.s32 @p2 $0x1082  }
0x22: {  	[simem:s7], [sflag:s8] =	dma.local @!p0 [hbm:s6], $0xF7A  }
0x23: {  	s9 =	sor.u32 $0xD0000000, s2;
	s6 =	simm.s32 $0x108;
	_ =	swait.ge @!p0 [sflag:s8], $0x0  }
0x24: {  	s3 =	sadd.s32 $0x88, s3;
	s6 =	simm.s32 @!p1 $0x1082;
	[sflag:s4] =	ssyncset.s32 $0xFFFFF086  }
0x25: {  	[simem:s6], [sflag:s4] =	dma.local [hbm:s3], $0xF7A  }
0x26: {  	[smem:$0x3FA0] =	sst s1;
	(tag) =	ssettag s2;
	_ =	strace s9  }
0x27: {  	s1 =	sld [smem:$0x3FB0]  }
0x28: {  	s2 =	sld [smem:$0x3FB1]  }
0x29: {  	s4 =	sld [smem:$0x3FB3]  }
0x2a: {  	p0 =	seq.s32 s5, $0x0;
	s5 =	sld [smem:$0x3FB4]  }
0x2b: {  	s6 =	sld [smem:$0x3FB5]  }
0x2c: {  	s7 =	sld [smem:$0x3FB6]  }
0x2d: {  	s3 =	simm.s32 $0x108;
	s8 =	sld [smem:$0x3FB7]  }
0x2e: {  	s3 =	simm.s32 @!p0 $0x1082;
	s9 =	sld [smem:$0x3FB8]  }
0x2f: {  	lr =	sadd.s32 s0, s3;
	s0 =	sld [smem:$0x3FAF]  }
0x30: {  	s3 =	sld [smem:$0x3FB2]  }
0x31: {  	[smem:$0x3FBB] =	sst s10  }
0x32: {  	s10 =	sld [smem:$0x3FB9];
	_ =	sdelay $0x3  }
0x33: {  	p0 =	seq.s32 s10, $0x1;
	s10 =	sld [smem:$0x3FBB];
	_ =	sdelay $0x3  }
0x34: {  	[smem:$0x3FBB] =	sst s10  }
0x35: {  	s10 =	sld [smem:$0x3FBA];
	_ =	sdelay $0x3  }
0x36: {  	p1 =	seq.s32 s10, $0x1;
	s10 =	sld [smem:$0x3FBB];
	_ =	sdelay $0x3  }
0x37: {  	[smem:$0x3FBB] =	sst s10  }
0x38: {  	s10 =	sld [smem:$0x3FBC]  }
0x39: {  	_ = 	snop;
	(pc) =	sbr.ind lr, $3  }
0x3a: {  	_ = 	snop  }
0x3b: {  	_ = 	snop  }
0x3c: {  	p2 =	seq.s32 s10, $0x1;
	s10 =	sld [smem:$0x3FBB]  }
0x3d: {  	_ =	shalt  }
0x3e: {  	_ =	shalt  }
0x3f: {  	_ =	shalt  }
0x40: {  	_ =	shalt  }
0x41: {  	_ =	shalt  }
0x42: {  	_ =	shalt  }
0x43: {  	_ =	shalt  }
0x44: {  	_ =	shalt  }
0x45: {  	_ =	shalt  }
0x46: {  	_ =	shalt  }
0x47: {  	_ =	shalt  }
0x48: {  	_ =	shalt  }
0x49: {  	_ =	shalt  }
0x4a: {  	_ =	shalt  }
0x4b: {  	_ =	shalt  }
0x4c: {  	_ =	shalt  }
0x4d: {  	_ =	shalt  }
0x4e: {  	_ =	shalt  }
0x4f: {  	_ =	shalt  }
0x50: {  	_ =	shalt  }
0x51: {  	_ =	shalt  }
0x52: {  	_ =	shalt  }
0x53: {  	_ =	shalt  }
0x54: {  	_ =	shalt  }
0x55: {  	_ =	shalt  }
0x56: {  	_ =	shalt  }
0x57: {  	_ =	shalt  }
0x58: {  	_ =	shalt  }
0x59: {  	_ =	shalt  }
0x5a: {  	_ =	shalt  }
0x5b: {  	_ =	shalt  }
0x5c: {  	_ =	shalt  }
0x5d: {  	_ =	shalt  }
0x5e: {  	_ =	shalt  }
0x5f: {  	_ =	shalt  }
0x60: {  	_ =	shalt  }
0x61: {  	_ =	shalt  }
0x62: {  	_ =	shalt  }
0x63: {  	_ =	shalt  }
0x64: {  	_ =	shalt  }
0x65: {  	_ =	shalt  }
0x66: {  	_ =	shalt  }
0x67: {  	_ =	shalt  }
0x68: {  	_ =	shalt  }
0x69: {  	_ =	shalt  }
0x6a: {  	_ =	shalt  }
0x6b: {  	_ =	shalt  }
0x6c: {  	_ =	shalt  }
0x6d: {  	_ =	shalt  }
0x6e: {  	_ =	shalt  }
0x6f: {  	_ =	shalt  }
0x70: {  	_ =	shalt  }
0x71: {  	_ =	shalt  }
0x72: {  	_ =	shalt  }
0x73: {  	_ =	shalt  }
0x74: {  	_ =	shalt  }
0x75: {  	_ =	shalt  }
0x76: {  	_ =	shalt  }
0x77: {  	_ =	shalt  }
0x78: {  	_ =	shalt  }
0x79: {  	_ =	shalt  }
0x7a: {  	_ =	shalt  }
0x7b: {  	_ =	shalt  }
0x7c: {  	_ =	shalt  }
0x7d: {  	_ =	shalt  }
0x7e: {  	_ =	shalt  }
0x7f: {  	_ =	shalt  }
0x80: {  	_ =	shalt  }
0x81: {  	_ =	shalt  }
0x82: {  	_ =	shalt  }
0x83: {  	_ =	shalt  }
0x84: {  	_ =	shalt  }
0x85: {  	_ =	shalt  }
0x86: {  	_ =	shalt  }
0x87: {  	_ =	shalt  }
.Lfunc_end0:
.L_simem_size_0:
called_computation_lowered:
.L_overlay_start_0:
0x88: {  	s2 =	sld [smem:$0x3FD9]  }
0x89: {  	s3 =	sld [smem:$0x3FFE];
	_ =	sdelay $0x1  }
0x8a: {  	s1 =	srdreg.scid  }
0x8b: {  	s0 =	sand.u32 $0x1, s1  }
0x8c: {  	s14 =	sshll.u32 s0, $0xA;
	s2 =	sadd.s32 s3, s2  }
0x8d: {  	s2 =	sadd.s32 s2, s14  }
0x8e: {  	[smem:$0x3FC7] =	sst s2  }
0x8f: {  	_ = 	snop  }
0x90: {  	s2 =	sld [smem:$0x3FD0];
	_ =	sdelay $0x2  }
0x91: {  	s4 =	simm.s32 $0xA;
	s5 =	simm.s32 $0x10;
	s15 =	sld [smem:$0x3FC9]  }
0x92: {  	[smem:s5], [sflag:s4] =	dma.local [hbm:s2], $0x1  }
0x93: {  	_ =	swait.eq [sflag:s4], $0x1  }
0x94: {  	[sflag:s4] =	ssyncset.done $0x0  }
0x95: {  	[sflag:s4] =	ssyncadd.s32 $0xFFFFFFFF  }
0x96: {  	s16 =	sld [smem:$0x10];
	(tm) =	ssettm $0x1  }
0x97: {  	s17 =	sld [smem:$0x3FFB];
	_ =	sdelay $0x3  }
0x98: {  	_ =	strace s17  }
0x99: {  	s4 =	sld [smem:$0x3FFC];
	_ =	sdelay $0x3  }
0x9a: {  	_ =	strace s4  }
0x9b: {  	s4 =	sld [smem:$0x3FFD];
	_ =	sdelay $0x3  }
0x9c: {  	_ =	strace s4  }
0x9d: {  	_ =	strace $0x8FFFFFFF  }
0x9e: {  	s18 =	sld [smem:$0x3FDB];
	_ =	sdelay $0x1  }
0x9f: {  	s19 =	simm.s32 $_scs_section_size  }
0xa0: {  	s6 =	simm.s32 $_size__tile_overlayer_lowered;
	s7 =	simm.s32 $_tile_overlayer_lowered  }
0xa1: {  	s22 =	simm.s32 $0x1BFF;
	s21 =	sshll.u32 s7, $0x1;
	s4 =	sadd.s32 s19, s18  }
0xa2: {  	s8 =	simm.s32 $0x0;
	s20 =	sshll.u32 s6, $0x1;
	s6 =	sadd.s32 s21, s4  }
0xa3: {  	[timem:s8], [sflag:s22] =	dma.local [hbm:s6], s20  }
0xa4: {  	_ =	swait.ge [sflag:s22], s20  }
0xa5: {  	s5 =	ssub.s32 $0x0, s20;
	[sflag:s22] =	ssyncset.done $0x0  }
0xa6: {  	[sflag:s22] =	ssyncadd.s32 s5;
	_ =	sdelay $0x1  }
0xa7: {  	s23 =	simm.s32 $0x1B8B  }
0xa8: {  	_ =	swait.ge [sflag:s23], $0x1  }
0xa9: {  	[sflag:s23] =	ssyncset.done $0x0  }
0xaa: {  	s25 =	simm.s32 $0x1B8E;
	s24 =	sld [smem:$0x3FFE];
	[sflag:s23] =	ssyncadd.s32 $0xFFFFFFFF  }
0xab: {  	s26 =	simm.s32 $execute0_lowered;
	[smem:$0x3FD2] =	sst s25  }
0xac: {  	s6 =	sshll.u32 s26, $0x1;
	_ =	strace $0x80000046;
	[dreg:$0x1] =	wrdreg $0xFFFFFFFF  }
0xad: {  	s28 =	simm.s32 $_size_execute0_lowered;
	s4 =	sadd.s32 s4, s6;
	[dreg:$0x0] =	wrdreg $0x0  }
0xae: {  	s6 =	sshll.u32 s28, $0x1;
	[dreg:$0x2] =	wrdreg s4  }
0xaf: {  	[dreg:$0x3] =	wrdreg s6  }
0xb0: {  	[dreg:$0x4] =	wrdreg $0xC0  }
0xb1: {  	_ =	task [dreg:s8], $0x5FFFF  }
0xb2: {  	[dreg:$0x1] =	wrdreg $0xFFFFFFFF  }
0xb3: {  	[dreg:$0x0] =	wrdreg $0x60  }
0xb4: {  	[dreg:$0x2] =	wrdreg s15  }
0xb5: {  	[dreg:$0x3] =	wrdreg s24  }
0xb6: {  	[dreg:$0x4] =	wrdreg s16  }
0xb7: {  	[dreg:$0x5] =	wrdreg $0x9  }
0xb8: {  	_ =	task.clear_ibuf [dreg:s8], $0x6FFFF;
	_ =	strace $0x90000046  }
0xb9: {  	s29 =	simm.s32 $0x9;
	_ =	strace $0x80000048  }
0xba: {  	_ =	swait.ge [sflag:s29], $0x1  }
0xbb: {  	[sflag:s29] =	ssyncadd.s32 $0xFFFFFFFF  }
0xbc: {  	_ =	strace $0x90000048  }
0xbd: {  	_ =	sfence  }
0xbe: {  	s30 =	sld [smem:$0x0];
	_ =	sdelay $0x2  }
0xbf: {  	s31 =	sshll.u32 s1, $0xD;
	s1 =	sshrl.u32 s1, $0x2  }
0xc0: {  	s3 =	sand.u32 $0x4000, s31;
	s1 =	sadd.s32 s1, s30  }
0xc1: {  	s0 =	sor.u32 s3, s0;
	s1 =	sshll.u32 s1, $0x11  }
0xc2: {  	s0 =	sor.u32 s1, s0  }
0xc3: {  	s0 =	sadd.s32 $0x8F2B, s0  }
0xc4: {  	[sflag:s0] =	ssyncadd.remote.s32 $0x1  }
0xc5: {  	_ =	sfence.sel $0xFFFF  }
0xc6: {  	[dreg:$0x0] =	wrdreg $0xFFFFFFFF;
	(pc) =	sbr.abs _section_cstart, $3  }
0xc7: {  	[dreg:$0x1] =	wrdreg $0xFFFFFFFF  }
0xc8: {  	_ =	task.clear_ibuf [dreg:s8], $0x2FFFF;
	_ =	strace $0x9FFFFFFF  }
0xc9: {  	(tm) =	ssettm $0x7FFFFFFF  }
tec
execute0_lowered:
.L_overlay_start_1:
0x0: {  	(tag) =	ssettag $0x1  }
0x1: {  	s2 =	srdreg.scid  }
0x2: {  	s1 =	rddreg [dreg:$0x0];
	s0 =	stileid.u32;
	s2 =	sand.u32 $0x1, s2  }
0x3: {  	s4 =	rddreg [dreg:$0x1];
	s3 =	sshll.u32 s0, $0x5;
	s5 =	sshll.u32 s2, $0x4  }
0x4: {  	s6 =	rddreg [dreg:$0x2];
	s5 =	sor.u32 s5, s3;
	s3 =	simm.s32 $0x0  }
0x5: {  	s15 =	simm.s32 $0x880;
	[smem:$0x7FF] =	sst s3  }
0x6: {  	s16 =	simm.s32 $0x1080;
	_ =	strace $0x80000047;
	[dreg:$0x8] =	wrdreg s15  }
0x7: {  	s17 =	simm.s32 $0x1880;
	[dreg:$0x9] =	wrdreg s16  }
0x8: {  	s18 =	simm.s32 $0x2080;
	[dreg:$0xa] =	wrdreg s17  }
0x9: {  	s19 =	simm.s32 $0x2880;
	[dreg:$0xb] =	wrdreg s18  }
0xa: {  	s20 =	simm.s32 $0x3080;
	[dreg:$0xc] =	wrdreg s19  }
0xb: {  	s21 =	simm.s32 $0x3880;
	[dreg:$0xd] =	wrdreg s20  }
0xc: {  	s22 =	simm.s32 $0x4080;
	[dreg:$0xe] =	wrdreg s21  }
0xd: {  	s23 =	simm.s32 $0x4880;
	[dreg:$0xf] =	wrdreg s22  }
0xe: {  	s24 =	simm.s32 $0x5080;
	[dreg:$0x10] =	wrdreg s23  }
0xf: {  	s25 =	simm.s32 $0x5880;
	s26 =	simm.s32 $0x6880;
	[dreg:$0x11] =	wrdreg s24  }
0x10: {  	s9 =	simm.s32 $0x9080;
	s10 =	simm.s32 $0x9880;
	[dreg:$0x12] =	wrdreg s25  }
0x11: {  	s28 =	simm.s32 $0x4;
	s0 =	simm.s32 $0x7080;
	[dreg:$0x13] =	wrdreg s26  }
0x12: {  	s29 =	simm.s32 $0x5;
	s30 =	simm.s32 $0x6;
	[dreg:$0x14] =	wrdreg s0  }
0x13: {  	s7 =	smul.u32 $0x300, s5;
	s4 =	sadd.s32 s5, s4;
	[dreg:$0x18] =	wrdreg s9  }
0x14: {  	s8 =	smul.u32 $0x1800, s5;
	s5 =	sadd.s32 $0xA00, s4;
	[dreg:$0x19] =	wrdreg s10  }
0x15: {  	s31 =	simm.s32 $0x7;
	s15 =	simm.s32 $0xC880;
	[dreg:$0x4] =	wrdreg s5  }
0x16: {  	s2 =	ssub.s32 $0x2, s2;
	s16 =	simm.s32 $0xD080;
	[dreg:$0x1e] =	wrdreg s15  }
0x17: {  	s17 =	sshrl.u32 s2, $0x1;
	s18 =	simm.s32 $0xD880;
	[dreg:$0x1f] =	wrdreg s16  }
0x18: {  	s19 =	simm.s32 $0xE080;
	s20 =	simm.s32 $0xE880;
	[smem:$0x7F5] =	sst s18  }
0x19: {  	s21 =	simm.s32 $0xF080;
	s22 =	simm.s32 $0xF880;
	[smem:$0x7F6] =	sst s19  }
0x1a: {  	s23 =	simm.s32 $0x10080;
	s9 =	simm.s32 $0x80;
	[smem:$0x7F7] =	sst s20  }
0x1b: {  	s24 =	simm.s32 $0x10880;
	s10 =	simm.s32 $0x6080;
	[smem:$0x7F8] =	sst s21  }
0x1c: {  	s25 =	simm.s32 $0x11080;
	s26 =	simm.s32 $0x11880;
	[smem:$0x7F9] =	sst s22  }
0x1d: {  	s4 =	sadd.s32 s6, s7;
	s11 =	sshrl.u32 s8, $0x3;
	[smem:$0x7FA] =	sst s23  }
0x1e: {  	s7 =	simm.s32 $0x8080;
	s8 =	simm.s32 $0x8880;
	[smem:$0x7FB] =	sst s24  }
0x1f: {  	s2 =	ssub.s32 s2, s17;
	s5 =	sadd.s32 $0x100, s1;
	[smem:$0x7FC] =	sst s25  }
0x20: {  	[smem:$0x7FD] =	sst s26;
	s15 =	simm.s32 $0x13880;
	s16 =	simm.s32 $0x14080  }
0x21: {  	s17 =	simm.s32 $0x14880;
	s18 =	simm.s32 $0x15080;
	s19 =	simm.s32 $0x15880  }
0x22: {  	s20 =	simm.s32 $0x16080;
	s21 =	simm.s32 $0x16880;
	s22 =	simm.s32 $0x17080  }
0x23: {  	s23 =	simm.s32 $0x17880;
	s24 =	simm.s32 $0x1;
	[dreg:$0x16] =	wrdreg s7  }
0x24: {  	s25 =	simm.s32 $0x2;
	s12 =	sadd.s32 $0xC00, s4;
	[dreg:$0x17] =	wrdreg s8  }
0x25: {  	s6 =	sadd.s32 s6, s11;
	s11 =	simm.s32 $0xA080;
	[dreg:$0x5] =	wrdreg s12  }
0x26: {  	s26 =	simm.s32 $0x3;
	s13 =	sadd.s32 $0x1800, s6;
	[dreg:$0x1a] =	wrdreg s11  }
0x27: {  	s7 =	smax.u32 s2, $0x1;
	s14 =	sadd.s32 $0x2400, s6;
	[dreg:$0x6] =	wrdreg s13  }
0x28: {  	s8 =	simm.s32 $0x9;
	s6 =	simm.s32 $0x7880;
	[dreg:$0x7] =	wrdreg s14  }
0x29: {  	s2 =	simm.s32 $0x8;
	s12 =	simm.s32 $0xA880;
	[dreg:$0x15] =	wrdreg s6  }
0x2a: {  	v2 =	vlaneseq.u32;
	s11 =	simm.s32 $0xC080;
	[dreg:$0x1b] =	wrdreg s12;
	s13 =	simm.s32 $0xB080  }
0x2b: {  	vm0 =	vmmov $0xffff;
	v1 =	vshrl.u32 v2, $0x3;
	s14 =	simm.s32 $0xB880;
	s6 =	sadd.s32 $0x200, s1;
	[dreg:$0x1c] =	wrdreg s13  }
0x2c: {  	v0 =	vand.u32 $0x7, v2;
	v2 =	vor.u32 $0x8, v2;
	v1 =	vmul.u32 $0x8, v1;
	s12 =	simm.s32 $0x12080;
	[dreg:$0x1d] =	wrdreg s14;
	s14 =	simm.s32 $0x13080  }
.LBB2_1:
0x2d: {  	s0 =	rddreg [dreg:$0x4]  }
0x2e: {  	[tilespmem:s3], [sflag:$0x9] =	stream.linear.gather [hbm4b:s0+s3], $0x80, $0x38;
	[tilespmem:$0x18080] =	vst v63  }
0x2f: {  	_ =	swait.ge [sflag:s8], $0x80  }
0x30: {  	[sflag:s8] =	ssyncset.done $0x0  }
0x31: {  	[sflag:s8] =	ssyncadd.s32 $0xFFFFFF80  }
0x32: {  	v3 =	vld [tilespmem:$0x0];
	_ =	sdelay $0x4  }
0x33: {  	v4 =	vshrl.u32 v3, $0x3  }
0x34: {  	v4 =	vmul.u32 $0x30, v4  }
0x35: {  	v3 =	vand.u32 $0x7, v3  }
0x36: {  	v3 =	vor.u32 v3, v4  }
0x37: {  	v4 =	vperm.xlane v3, v0;
	_ =	sdelay $0x1  }
0x38: {  	v4 =	vadd.s32 v1, v4;
	_ =	sdelay $0x3  }
0x39: {  	v3 =	vperm.xlane v3, v2  }
0x3a: {  	[tilespmem:s9], [sflag:$0x1] =	stream.indirect_vreg.gather [hbm4b:s1+s3], $0x80, v4, vm0, $0xb8;
	[tilespmem:$0x18080] =	vst v63  }
0x3b: {  	s0 =	rddreg [dreg:$0x8];
	v3 =	vadd.s32 v1, v3  }
0x3c: {  	[tilespmem:s0], [sflag:$0x1] =	stream.indirect_vreg.gather [hbm4b:s5+s3], $0x80, v4, vm0, $0xb8;
	[tilespmem:$0x18080] =	vst v63  }
0x3d: {  	s13 =	rddreg [dreg:$0x9]  }
0x3e: {  	[tilespmem:s13], [sflag:$0x1] =	stream.indirect_vreg.gather [hbm4b:s6+s3], $0x80, v4, vm0, $0xb8;
	[tilespmem:$0x18080] =	vst v63  }
0x3f: {  	s0 =	rddreg [dreg:$0xa]  }
0x40: {  	[tilespmem:s0], [sflag:$0x1] =	stream.indirect_vreg.gather [hbm4b:s1+s3], $0x80, v3, vm0, $0xb8;
	[tilespmem:$0x18080] =	vst v63  }
0x41: {  	s13 =	rddreg [dreg:$0xb]  }
0x42: {  	[tilespmem:s13], [sflag:$0x1] =	stream.indirect_vreg.gather [hbm4b:s5+s3], $0x80, v3, vm0, $0xb8;
	[tilespmem:$0x18080] =	vst v63  }
0x43: {  	s0 =	rddreg [dreg:$0xc]  }
0x44: {  	[tilespmem:s0], [sflag:$0x1] =	stream.indirect_vreg.gather [hbm4b:s6+s3], $0x80, v3, vm0, $0xb8;
	[tilespmem:$0x18080] =	vst v63  }
0x45: {  	v3 =	vld [tilespmem:$0x10];
	_ =	sdelay $0x4  }
0x46: {  	v57 =	vshrl.u32 v3, $0x3  }
0x47: {  	v4 =	vmul.u32 $0x30, v57  }
0x48: {  	v3 =	vand.u32 $0x7, v3  }
0x49: {  	v3 =	vor.u32 v3, v4  }
0x4a: {  	v4 =	vperm.xlane v3, v0;
	_ =	sdelay $0x1  }
0x4b: {  	v4 =	vadd.s32 v1, v4;
	_ =	sdelay $0x3  }
0x4c: {  	s0 =	rddreg [dreg:$0xd];
	v3 =	vperm.xlane v3, v2  }
0x4d: {  	[tilespmem:s0], [sflag:$0x1] =	stream.indirect_vreg.gather [hbm4b:s1+s3], $0x80, v4, vm0, $0xb8;
	[tilespmem:$0x18080] =	vst v63  }
0x4e: {  	s13 =	rddreg [dreg:$0xe];
	v3 =	vadd.s32 v1, v3  }
0x4f: {  	[tilespmem:s13], [sflag:$0x1] =	stream.indirect_vreg.gather [hbm4b:s5+s3], $0x80, v4, vm0, $0xb8;
	[tilespmem:$0x18080] =	vst v63  }
0x50: {  	s0 =	rddreg [dreg:$0xf]  }
0x51: {  	[tilespmem:s0], [sflag:$0x1] =	stream.indirect_vreg.gather [hbm4b:s6+s3], $0x80, v4, vm0, $0xb8;
	[tilespmem:$0x18080] =	vst v63  }
0x52: {  	s13 =	rddreg [dreg:$0x10]  }
0x53: {  	[tilespmem:s13], [sflag:$0x1] =	stream.indirect_vreg.gather [hbm4b:s1+s3], $0x80, v3, vm0, $0xb8;
	[tilespmem:$0x18080] =	vst v63  }
0x54: {  	s0 =	rddreg [dreg:$0x11]  }
0x55: {  	[tilespmem:s0], [sflag:$0x1] =	stream.indirect_vreg.gather [hbm4b:s5+s3], $0x80, v3, vm0, $0xb8;
	[tilespmem:$0x18080] =	vst v63  }
0x56: {  	s13 =	rddreg [dreg:$0x12]  }
0x57: {  	[tilespmem:s13], [sflag:$0x1] =	stream.indirect_vreg.gather [hbm4b:s6+s3], $0x80, v3, vm0, $0xb8;
	[tilespmem:$0x18080] =	vst v63  }
0x58: {  	v3 =	vld [tilespmem:$0x20];
	_ =	sdelay $0x4  }
0x59: {  	v58 =	vshrl.u32 v3, $0x3  }
0x5a: {  	v4 =	vmul.u32 $0x30, v58  }
0x5b: {  	v3 =	vand.u32 $0x7, v3  }
0x5c: {  	v3 =	vor.u32 v3, v4  }
0x5d: {  	v4 =	vperm.xlane v3, v0;
	_ =	sdelay $0x1  }
0x5e: {  	v4 =	vadd.s32 v1, v4;
	_ =	sdelay $0x3  }
0x5f: {  	v3 =	vperm.xlane v3, v2  }
0x60: {  	[tilespmem:s10], [sflag:$0x2] =	stream.indirect_vreg.gather [hbm4b:s1+s3], $0x80, v4, vm0, $0xb8;
	[tilespmem:$0x18080] =	vst v63  }
0x61: {  	s0 =	rddreg [dreg:$0x13];
	v3 =	vadd.s32 v1, v3  }
0x62: {  	[tilespmem:s0], [sflag:$0x2] =	stream.indirect_vreg.gather [hbm4b:s5+s3], $0x80, v4, vm0, $0xb8;
	[tilespmem:$0x18080] =	vst v63  }
0x63: {  	s13 =	rddreg [dreg:$0x14]  }
0x64: {  	[tilespmem:s13], [sflag:$0x2] =	stream.indirect_vreg.gather [hbm4b:s6+s3], $0x80, v4, vm0, $0xb8;
	[tilespmem:$0x18080] =	vst v63  }
0x65: {  	s0 =	rddreg [dreg:$0x15]  }
0x66: {  	[tilespmem:s0], [sflag:$0x2] =	stream.indirect_vreg.gather [hbm4b:s1+s3], $0x80, v3, vm0, $0xb8;
	[tilespmem:$0x18080] =	vst v63  }
0x67: {  	s13 =	rddreg [dreg:$0x16]  }
0x68: {  	[tilespmem:s13], [sflag:$0x2] =	stream.indirect_vreg.gather [hbm4b:s5+s3], $0x80, v3, vm0, $0xb8;
	[tilespmem:$0x18080] =	vst v63  }
0x69: {  	s0 =	rddreg [dreg:$0x17]  }
0x6a: {  	[tilespmem:s0], [sflag:$0x2] =	stream.indirect_vreg.gather [hbm4b:s6+s3], $0x80, v3, vm0, $0xb8;
	[tilespmem:$0x18080] =	vst v63  }
0x6b: {  	v3 =	vld [tilespmem:$0x30];
	_ =	sdelay $0x4  }
0x6c: {  	v59 =	vshrl.u32 v3, $0x3  }
0x6d: {  	v4 =	vmul.u32 $0x30, v59  }
0x6e: {  	v3 =	vand.u32 $0x7, v3  }
0x6f: {  	v3 =	vor.u32 v3, v4  }
0x70: {  	v4 =	vperm.xlane v3, v0;
	_ =	sdelay $0x1  }
0x71: {  	v4 =	vadd.s32 v1, v4;
	_ =	sdelay $0x3  }
0x72: {  	s0 =	rddreg [dreg:$0x18];
	v3 =	vperm.xlane v3, v2  }
0x73: {  	[tilespmem:s0], [sflag:$0x2] =	stream.indirect_vreg.gather [hbm4b:s1+s3], $0x80, v4, vm0, $0xb8;
	[tilespmem:$0x18080] =	vst v63  }
0x74: {  	s13 =	rddreg [dreg:$0x19];
	v3 =	vadd.s32 v1, v3  }
0x75: {  	[tilespmem:s13], [sflag:$0x2] =	stream.indirect_vreg.gather [hbm4b:s5+s3], $0x80, v4, vm0, $0xb8;
	[tilespmem:$0x18080] =	vst v63  }
0x76: {  	s0 =	rddreg [dreg:$0x1a]  }
0x77: {  	[tilespmem:s0], [sflag:$0x2] =	stream.indirect_vreg.gather [hbm4b:s6+s3], $0x80, v4, vm0, $0xb8;
	[tilespmem:$0x18080] =	vst v63  }
0x78: {  	s13 =	rddreg [dreg:$0x1b]  }
0x79: {  	[tilespmem:s13], [sflag:$0x2] =	stream.indirect_vreg.gather [hbm4b:s1+s3], $0x80, v3, vm0, $0xb8;
	[tilespmem:$0x18080] =	vst v63  }
0x7a: {  	s0 =	rddreg [dreg:$0x1c]  }
0x7b: {  	[tilespmem:s0], [sflag:$0x2] =	stream.indirect_vreg.gather [hbm4b:s5+s3], $0x80, v3, vm0, $0xb8;
	[tilespmem:$0x18080] =	vst v63  }
0x7c: {  	s13 =	rddreg [dreg:$0x1d]  }
0x7d: {  	[tilespmem:s13], [sflag:$0x2] =	stream.indirect_vreg.gather [hbm4b:s6+s3], $0x80, v3, vm0, $0xb8;
	[tilespmem:$0x18080] =	vst v63  }
0x7e: {  	v3 =	vld [tilespmem:$0x40];
	_ =	sdelay $0x4  }
0x7f: {  	v60 =	vshrl.u32 v3, $0x3  }
0x80: {  	v4 =	vmul.u32 $0x30, v60  }
0x81: {  	v3 =	vand.u32 $0x7, v3  }
0x82: {  	v3 =	vor.u32 v3, v4  }
0x83: {  	v4 =	vperm.xlane v3, v0;
	_ =	sdelay $0x1  }
0x84: {  	v4 =	vadd.s32 v1, v4;
	_ =	sdelay $0x3  }
0x85: {  	s0 =	rddreg [dreg:$0x1e];
	v3 =	vperm.xlane v3, v2  }
0x86: {  	[tilespmem:s11], [sflag:$0x3] =	stream.indirect_vreg.gather [hbm4b:s1+s3], $0x80, v4, vm0, $0xb8;
	[tilespmem:$0x18080] =	vst v63  }
0x87: {  	s13 =	rddreg [dreg:$0x1f];
	v3 =	vadd.s32 v1, v3  }
0x88: {  	[tilespmem:s0], [sflag:$0x3] =	stream.indirect_vreg.gather [hbm4b:s5+s3], $0x80, v4, vm0, $0xb8;
	[tilespmem:$0x18080] =	vst v63  }
0x89: {  	s0 =	sld [smem:$0x7F5]  }
0x8a: {  	[tilespmem:s13], [sflag:$0x3] =	stream.indirect_vreg.gather [hbm4b:s6+s3], $0x80, v4, vm0, $0xb8;
	[tilespmem:$0x18080] =	vst v63  }
0x8b: {  	s13 =	sld [smem:$0x7F6]  }
0x8c: {  	[tilespmem:s0], [sflag:$0x3] =	stream.indirect_vreg.gather [hbm4b:s1+s3], $0x80, v3, vm0, $0xb8;
	[tilespmem:$0x18080] =	vst v63  }
0x8d: {  	s0 =	sld [smem:$0x7F7]  }
0x8e: {  	[tilespmem:s13], [sflag:$0x3] =	stream.indirect_vreg.gather [hbm4b:s5+s3], $0x80, v3, vm0, $0xb8;
	[tilespmem:$0x18080] =	vst v63  }
0x8f: {  	_ = 	snop  }
0x90: {  	[tilespmem:s0], [sflag:$0x3] =	stream.indirect_vreg.gather [hbm4b:s6+s3], $0x80, v3, vm0, $0xb8;
	[tilespmem:$0x18080] =	vst v63  }
0x91: {  	v3 =	vld [tilespmem:$0x50];
	_ =	sdelay $0x4  }
0x92: {  	v61 =	vshrl.u32 v3, $0x3  }
0x93: {  	v4 =	vmul.u32 $0x30, v61  }
0x94: {  	v3 =	vand.u32 $0x7, v3  }
0x95: {  	v3 =	vor.u32 v3, v4  }
0x96: {  	v4 =	vperm.xlane v3, v0;
	_ =	sdelay $0x1  }
0x97: {  	v4 =	vadd.s32 v1, v4;
	_ =	sdelay $0x1  }
0x98: {  	s0 =	sld [smem:$0x7F8];
	_ =	sdelay $0x1  }
0x99: {  	s13 =	sld [smem:$0x7F9];
	v3 =	vperm.xlane v3, v2  }
0x9a: {  	[tilespmem:s0], [sflag:$0x3] =	stream.indirect_vreg.gather [hbm4b:s1+s3], $0x80, v4, vm0, $0xb8;
	[tilespmem:$0x18080] =	vst v63  }
0x9b: {  	v3 =	vadd.s32 v1, v3;
	s0 =	sld [smem:$0x7FA]  }
0x9c: {  	[tilespmem:s13], [sflag:$0x3] =	stream.indirect_vreg.gather [hbm4b:s5+s3], $0x80, v4, vm0, $0xb8;
	[tilespmem:$0x18080] =	vst v63  }
0x9d: {  	s13 =	sld [smem:$0x7FB]  }
0x9e: {  	[tilespmem:s0], [sflag:$0x3] =	stream.indirect_vreg.gather [hbm4b:s6+s3], $0x80, v4, vm0, $0xb8;
	[tilespmem:$0x18080] =	vst v63  }
0x9f: {  	s0 =	sld [smem:$0x7FC]  }
0xa0: {  	[tilespmem:s13], [sflag:$0x3] =	stream.indirect_vreg.gather [hbm4b:s1+s3], $0x80, v3, vm0, $0xb8;
	[tilespmem:$0x18080] =	vst v63  }
0xa1: {  	s13 =	sld [smem:$0x7FD]  }
0xa2: {  	[tilespmem:s0], [sflag:$0x3] =	stream.indirect_vreg.gather [hbm4b:s5+s3], $0x80, v3, vm0, $0xb8;
	[tilespmem:$0x18080] =	vst v63  }
0xa3: {  	_ = 	snop  }
0xa4: {  	[tilespmem:s13], [sflag:$0x3] =	stream.indirect_vreg.gather [hbm4b:s6+s3], $0x80, v3, vm0, $0xb8;
	[tilespmem:$0x18080] =	vst v63  }
0xa5: {  	v3 =	vld [tilespmem:$0x60];
	_ =	sdelay $0x4  }
0xa6: {  	v62 =	vshrl.u32 v3, $0x3  }
0xa7: {  	v4 =	vmul.u32 $0x30, v62  }
0xa8: {  	v3 =	vand.u32 $0x7, v3  }
0xa9: {  	v3 =	vor.u32 v3, v4  }
0xaa: {  	v4 =	vperm.xlane v3, v0;
	_ =	sdelay $0x1  }
0xab: {  	v4 =	vadd.s32 v1, v4;
	_ =	sdelay $0x3  }
0xac: {  	v3 =	vperm.xlane v3, v2  }
0xad: {  	[tilespmem:s12], [sflag:$0x4] =	stream.indirect_vreg.gather [hbm4b:s1+s3], $0x80, v4, vm0, $0xb8;
	[tilespmem:$0x18080] =	vst v63  }
0xae: {  	s13 =	simm.s32 $0x12880;
	v3 =	vadd.s32 v1, v3  }
0xaf: {  	[tilespmem:s13], [sflag:$0x4] =	stream.indirect_vreg.gather [hbm4b:s5+s3], $0x80, v4, vm0, $0xb8;
	[tilespmem:$0x18080] =	vst v63  }
0xb0: {  	_ = 	snop  }
0xb1: {  	[tilespmem:s14], [sflag:$0x4] =	stream.indirect_vreg.gather [hbm4b:s6+s3], $0x80, v4, vm0, $0xb8;
	[tilespmem:$0x18080] =	vst v63  }
0xb2: {  	_ = 	snop  }
0xb3: {  	[tilespmem:s15], [sflag:$0x4] =	stream.indirect_vreg.gather [hbm4b:s1+s3], $0x80, v3, vm0, $0xb8;
	[tilespmem:$0x18080] =	vst v63  }
0xb4: {  	_ = 	snop  }
0xb5: {  	[tilespmem:s16], [sflag:$0x4] =	stream.indirect_vreg.gather [hbm4b:s5+s3], $0x80, v3, vm0, $0xb8;
	[tilespmem:$0x18080] =	vst v63  }
0xb6: {  	_ = 	snop  }
0xb7: {  	[tilespmem:s17], [sflag:$0x4] =	stream.indirect_vreg.gather [hbm4b:s6+s3], $0x80, v3, vm0, $0xb8;
	[tilespmem:$0x18080] =	vst v63  }
0xb8: {  	v3 =	vld [tilespmem:$0x70];
	_ =	sdelay $0x4  }
0xb9: {  	v63 =	vshrl.u32 v3, $0x3  }
0xba: {  	v4 =	vmul.u32 $0x30, v63  }
0xbb: {  	v3 =	vand.u32 $0x7, v3  }
0xbc: {  	v3 =	vor.u32 v3, v4  }
0xbd: {  	v4 =	vperm.xlane v3, v0;
	_ =	sdelay $0x1  }
0xbe: {  	v4 =	vadd.s32 v1, v4;
	_ =	sdelay $0x3  }
0xbf: {  	v3 =	vperm.xlane v3, v2  }
0xc0: {  	[tilespmem:s18], [sflag:$0x4] =	stream.indirect_vreg.gather [hbm4b:s1+s3], $0x80, v4, vm0, $0xb8;
	[tilespmem:$0x18080] =	vst v63  }
0xc1: {  	v3 =	vadd.s32 v1, v3  }
0xc2: {  	[tilespmem:s19], [sflag:$0x4] =	stream.indirect_vreg.gather [hbm4b:s5+s3], $0x80, v4, vm0, $0xb8;
	[tilespmem:$0x18080] =	vst v63  }
0xc3: {  	_ = 	snop  }
0xc4: {  	[tilespmem:s20], [sflag:$0x4] =	stream.indirect_vreg.gather [hbm4b:s6+s3], $0x80, v4, vm0, $0xb8;
	[tilespmem:$0x18080] =	vst v63  }
0xc5: {  	_ = 	snop  }
0xc6: {  	[tilespmem:s21], [sflag:$0x4] =	stream.indirect_vreg.gather [hbm4b:s1+s3], $0x80, v3, vm0, $0xb8;
	[tilespmem:$0x18080] =	vst v63  }
0xc7: {  	_ = 	snop  }
0xc8: {  	[tilespmem:s22], [sflag:$0x4] =	stream.indirect_vreg.gather [hbm4b:s5+s3], $0x80, v3, vm0, $0xb8;
	[tilespmem:$0x18080] =	vst v63  }
0xc9: {  	_ = 	snop  }
0xca: {  	[tilespmem:s23], [sflag:$0x4] =	stream.indirect_vreg.gather [hbm4b:s6+s3], $0x80, v3, vm0, $0xb8;
	[tilespmem:$0x18080] =	vst v63  }
0xcb: {  	_ =	swait.ge [sflag:s24], $0x6000  }
0xcc: {  	[sflag:s24] =	ssyncset.done $0x0  }
0xcd: {  	[sflag:s24] =	ssyncadd.s32 $0xFFFFA000  }
0xce: {  	[hbm4b:s4+s3] =	stream.linear.scatter [tilespmem:s9], [sflag:$0x5], $0x6000, $0x38;
	[tilespmem:$0x18080] =	vst v63  }
0xcf: {  	_ =	swait.ge [sflag:s25], $0x6000  }
0xd0: {  	[sflag:s25] =	ssyncset.done $0x0  }
0xd1: {  	s13 =	rddreg [dreg:$0x5];
	[sflag:s25] =	ssyncadd.s32 $0xFFFFA000  }
0xd2: {  	[hbm4b:s13+s3] =	stream.linear.scatter [tilespmem:s10], [sflag:$0x6], $0x6000, $0x38;
	[tilespmem:$0x18080] =	vst v63  }
0xd3: {  	_ =	swait.ge [sflag:s26], $0x6000  }
0xd4: {  	[sflag:s26] =	ssyncset.done $0x0  }
0xd5: {  	s13 =	rddreg [dreg:$0x6];
	[sflag:s26] =	ssyncadd.s32 $0xFFFFA000  }
0xd6: {  	[hbm4b:s13+s3] =	stream.linear.scatter [tilespmem:s11], [sflag:$0x7], $0x6000, $0x38;
	[tilespmem:$0x18080] =	vst v63  }
0xd7: {  	_ =	swait.ge [sflag:s28], $0x6000  }
0xd8: {  	[sflag:s28] =	ssyncset.done $0x0  }
0xd9: {  	s13 =	rddreg [dreg:$0x7];
	[sflag:s28] =	ssyncadd.s32 $0xFFFFA000  }
0xda: {  	[hbm4b:s13+s3] =	stream.linear.scatter [tilespmem:s12], [sflag:$0x8], $0x6000, $0x38;
	[tilespmem:$0x18080] =	vst v63  }
0xdb: {  	_ =	swait.ge [sflag:s29], $0x6000  }
0xdc: {  	[sflag:s29] =	ssyncset.done $0x0  }
0xdd: {  	[sflag:s29] =	ssyncadd.s32 $0xFFFFA000  }
0xde: {  	_ =	swait.ge [sflag:s30], $0x6000  }
0xdf: {  	[sflag:s30] =	ssyncset.done $0x0  }
0xe0: {  	[sflag:s30] =	ssyncadd.s32 $0xFFFFA000  }
0xe1: {  	p0 =	sne.s32 s7, $0x1;
	_ =	swait.ge [sflag:s31], $0x6000  }
.Ltmp0:
0xe2: {  	[sflag:s31] =	ssyncset.done $0x0;
	(pc) =	sbr.rel @p0 .LBB2_1-.Ltmp0, $4  }
0xe3: {  	[sflag:s31] =	ssyncadd.s32 $0xFFFFA000  }
0xe4: {  	_ =	swait.ge [sflag:s2], $0x6000  }
0xe5: {  	[sflag:s2] =	ssyncset.done $0x0  }
0xe6: {  	s7 =	sadd.s32 $0xFFFFFFFF, s7;
	[sflag:s2] =	ssyncadd.s32 $0xFFFFA000  }
0xe7: {  	_ =	sfence.sel $0x180000  }
0xe8: {  	[bflag:$0x0] =	sbarrier.arrive $0xFFFF  }
0xe9: {  	_ =	strace $0x90000047  }
0xea: {  	s0 =	stileid.u32;
	[bflag:$0x2] =	sbarrier.arrive $0xFFFF  }
0xeb: {  	p0 =	sne.s32 s0, $0x0;
	s0 =	rddreg [dreg:$0x3]  }
0xec: {  	s0 =	sadd.s32 @!p0 $0x100000, s0  }
0xed: {  	[sflag:s0] =	ssyncadd.tile.s32 @!p0 $0x1;
	_ =	shalt  }
.Lfunc_end2:
_tile_overlayer_lowered:
.L_overlay_start_2:
0xee: {  	(tag) =	ssettag $0x2  }
0xef: {  	s0 =	rddreg [dreg:$0x0];
	s2 =	stileid.u32  }
0xf0: {  	s1 =	rddreg [dreg:$0x1];
	p0 =	sne.s32 s2, $0x0  }
0xf1: {  	s3 =	rddreg [dreg:$0x2];
	[bflag:$0x3] =	sbarrier.arrive $0xFFFF;
	s2 =	simm.s32 @!p0 $0x1C09  }
0xf2: {  	[timem:s3], [sflag:s2] =	dma.local @!p0 [hbm:s0], s1  }
0xf3: {  	s0 =	simm.s32 @!p0 $0x9  }
0xf4: {  	_ =	swait.ge @!p0 [sflag:s0], s1  }
0xf5: {  	s1 =	ssub.s32 @!p0 $0x0, s1;
	[sflag:s0] =	ssyncset.done @!p0 $0x0  }
0xf6: {  	[sflag:s0] =	ssyncadd.s32 @!p0 s1  }
0xf7: {  	[bflag:$0x3] =	sbarrier.arrive $0xFFFF  }
0xf8: {  	_ =	shalt  }

</sc_bundles>
